<compile_context>
chip_gen: v7x
topology: tpu7x:2x2x1
jax: 0.10.2.dev20260603
libtpu: 0.0.44.dev20260713+nightly
codegen_flags: <defaults>
</compile_context>

<pallas_src>
import functools

import jax
import jax.numpy as jnp
from jax import lax
from jax.experimental import pallas as pl
from jax.experimental.pallas import tpu as pltpu
from jax.experimental.pallas import tpu_sc as plsc

N = 10000
E = 160000
D = 256
PAD = 10240
NROW = 80
NW = 32
EPW = 5008
E_PADDED = NW * EPW
NVREG = EPW // 16
NCHUNK = 40
DUMMY = PAD * PAD - 1
MM_ROWS = 256
NB = PAD // MM_ROWS


def _rank_body(pr_ref, out_ref, s0_ref):
    i = pl.program_id(0)
    s0_ref[...] = jnp.zeros((1, PAD, 128), jnp.float32)
    j_f = pr_ref[...]
    a_f = pr_ref[pl.ds(i, 1), :]
    jb = lax.bitcast_convert_type(j_f, jnp.int32)
    ab = lax.bitcast_convert_type(a_f, jnp.int32)
    jb3 = jb[:, :, None]
    ab3 = ab[None, :, :]
    jj = (lax.broadcasted_iota(jnp.int32, (NROW, 128, 128), 0) * 128
          + lax.broadcasted_iota(jnp.int32, (NROW, 128, 128), 1))
    aa = i * 128 + lax.broadcasted_iota(jnp.int32, (NROW, 128, 128), 2)
    tie = jnp.where(jj < aa, 1, 0)
    keep = jnp.where(jb3 < ab3, 1, jnp.where(jb3 == ab3, tie, 0))
    cnt = jnp.sum(keep, axis=(0, 1))
    out_ref[0, 0, :] = cnt


@functools.cache
def _get_rank_call():
    return pl.pallas_call(
        _rank_body,
        grid=(NROW,),
        in_specs=[pl.BlockSpec((NROW, 128), lambda i: (0, 0))],
        out_specs=[
            pl.BlockSpec((1, 1, 128), lambda i: (i, 0, 0)),
            pl.BlockSpec((1, PAD, 128), lambda i: (i, 0, 0)),
        ],
        out_shape=[
            jax.ShapeDtypeStruct((NROW, 1, 128), jnp.int32),
            jax.ShapeDtypeStruct((NROW, PAD, 128), jnp.float32),
        ],
    )


def _scatter_body(g0_hbm, g1_hbm, rank_hbm, s_hbm,
                  g0v, g1v, rankv, idxv, onesv, sem):
    wid = lax.axis_index("s") * 2 + lax.axis_index("c")
    base = wid * EPW
    pltpu.sync_copy(rank_hbm, rankv)
    pltpu.sync_copy(g0_hbm.at[pl.ds(base, EPW)], g0v)
    pltpu.sync_copy(g1_hbm.at[pl.ds(base, EPW)], g1v)

    for t in range(8):
        onesv[pl.ds(t * 16, 16)] = jnp.ones((16,), jnp.float32)
        idxv[NCHUNK - 1, pl.ds(t * 16, 16)] = jnp.full((16,), DUMMY, jnp.int32)

    @pl.loop(0, NVREG, unroll=4)
    def _(i):
        g0 = g0v[pl.ds(i * 16, 16)]
        g1 = g1v[pl.ds(i * 16, 16)]
        r0 = plsc.load_gather(rankv, [g0])
        r1 = plsc.load_gather(rankv, [g1])
        lo = jnp.minimum(r0, r1)
        hi = jnp.maximum(r0, r1)
        flat = lo * PAD + hi
        idxv[i // 8, pl.ds((i % 8) * 16, 16)] = flat

    @pl.loop(0, NCHUNK)
    def _(j):
        pltpu.async_copy(onesv, s_hbm.at[idxv.at[j]], sem)

    @pl.loop(0, NCHUNK)
    def _(j):
        pltpu.make_async_copy(onesv, s_hbm.at[idxv.at[0]], sem).wait()


@functools.cache
def _get_scatter_call():
    return pl.kernel(
        _scatter_body,
        out_type=(),
        mesh=plsc.VectorSubcoreMesh(core_axis_name="c", subcore_axis_name="s"),
        compiler_params=pltpu.CompilerParams(needs_layout_passes=False),
        scratch_types=[
            pltpu.VMEM((EPW,), jnp.int32),
            pltpu.VMEM((EPW,), jnp.int32),
            pltpu.VMEM((PAD,), jnp.int32),
            pltpu.VMEM((NCHUNK, 128), jnp.int32),
            pltpu.VMEM((128,), jnp.float32),
            pltpu.SemaphoreType.DMA,
        ],
    )


def _mm_body(s_ref, ids_ref, am_ref, out_ref, acc_ref):
    i = pl.program_id(0)

    @pl.when(i == 0)
    def _():
        acc_ref[...] = jnp.zeros_like(acc_ref)

    sb = s_ref[0].astype(jnp.bfloat16)
    q = jnp.dot(sb, ids_ref[...],
                preferred_element_type=jnp.float32)
    ids_blk = ids_ref[pl.ds(i * MM_ROWS, MM_ROWS), :].astype(jnp.float32)
    acc_ref[0, :] += jnp.sum(ids_blk * q, axis=0)

    @pl.when(i == NB - 1)
    def _():
        enc = acc_ref[0, :]
        out_ref[0, :] = jnp.sum(am_ref[...] * enc[None, :], axis=1)


@functools.cache
def _get_mm_call():
    return pl.pallas_call(
        _mm_body,
        grid=(NB,),
        in_specs=[
            pl.BlockSpec((1, MM_ROWS, PAD), lambda i: (i, 0, 0)),
            pl.BlockSpec((PAD, D), lambda i: (0, 0)),
            pl.BlockSpec((10, D), lambda i: (0, 0)),
        ],
        out_specs=pl.BlockSpec((1, 10), lambda i: (0, 0)),
        out_shape=jax.ShapeDtypeStruct((1, 10), jnp.float32),
        scratch_shapes=[pltpu.VMEM((1, D), jnp.float32)],
    )


def kernel(x, edge_index, pr, ids_weight, am_weight):
    n = x.shape[0]
    pr_pad = jnp.concatenate(
        [pr, jnp.full((PAD - n,), jnp.inf, jnp.float32)]
    ).reshape(NROW, 128)
    rank3, s0 = _get_rank_call()(pr_pad)
    rank = rank3.reshape(PAD)

    epad = jnp.full((E_PADDED - E,), n, jnp.int32)
    g0 = jnp.concatenate([edge_index[0], epad])
    g1 = jnp.concatenate([edge_index[1], epad])

    s_ref = jax.new_ref(s0.reshape(PAD * PAD))
    _get_scatter_call()(g0, g1, rank, s_ref)
    s3 = s_ref[...].reshape(NB, MM_ROWS, PAD)

    ids_pad = jnp.zeros((PAD, D), jnp.bfloat16).at[:n].set(
        ids_weight[:n].astype(jnp.bfloat16))
    return _get_mm_call()(s3, ids_pad, am_weight)

# --- scband reference (transcript-rebuilt; emitter-appended) ---
"""Pipeline reference for scband-graph-hd-16492674417136 (READ-ONLY COPY).

The authoritative reference and input builder live on the scoring server;
editing this copy changes nothing except your own understanding.
"""

import jax, jax.numpy as jnp
import numpy as np

N_NODES = 10000
N_EDGES = 160000
DIM = 256
NUM_CLASSES = 10
D_FEAT = 128
SIZE = 10000  # ids embedding rows


def setup_inputs(seed: int = 0) -> dict:
    key = jax.random.key(seed)
    k1, k2, k3, k4, k5 = jax.random.split(key, 5)
    x = jax.random.normal(k1, (N_NODES, D_FEAT), dtype=jnp.float32)
    edge_index = jax.random.randint(k2, (2, N_EDGES), 0, N_NODES, dtype=jnp.int32)
    pr = jax.random.uniform(k3, (N_NODES,), dtype=jnp.float32)
    # torchhd.embeddings.Random with MAP VSA: random bipolar {-1, +1} hypervectors
    ids_weight = jnp.where(jax.random.bernoulli(k4, 0.5, (SIZE, DIM)), 1.0, -1.0).astype(jnp.float32)
    # Associative memory modeled as class-prototype matrix [num_classes, dimensions]
    am_weight = jax.random.normal(k5, (NUM_CLASSES, DIM), dtype=jnp.float32)
    return {"x": x, "edge_index": edge_index, "pr": pr, "ids_weight": ids_weight, "am_weight": am_weight}


def reference(x, edge_index, pr, ids_weight, am_weight):
    n = x.shape[0]
    d = ids_weight.shape[1]
    # assign random hypervectors to nodes ordered by pagerank
    pr_argsort = jnp.argsort(pr)
    node_id_hvs = jnp.zeros((n, d), dtype=jnp.float32).at[pr_argsort].set(ids_weight[:n])
    # to_undirected: sort endpoints within each column, then dedupe columns
    ei = jnp.sort(edge_index, axis=0)
    keys = ei[0] * n + ei[1]
    order = jnp.argsort(keys)
    ks = keys[order]
    first = jnp.concatenate([jnp.ones((1,), dtype=bool), ks[1:] != ks[:-1]])
    g0 = ei[0][order]
    g1 = ei[1][order]
    # MAP bind == elementwise multiply; gather both endpoints' hypervectors
    hvs = node_id_hvs[g0] * node_id_hvs[g1]
    hvs = jnp.where(first[:, None], hvs, jnp.zeros_like(hvs))
    # multiset == elementwise sum over all bound edge hypervectors
    enc = jnp.sum(hvs, axis=0)[None, :]
    # AM search: dot-product similarity against class prototypes
    scores = enc @ am_weight.T
    return scores

if __name__ == "__main__":
    import jax
    _d = setup_inputs()
    print(jax.jit(kernel)(*tuple(_d.values())))

</pallas_src>

<mosaic_0001>
#map = affine_map<(d0, d1) -> (0)>
module attributes {stable_mosaic.version = 14 : i64} {
  func.func @new_body(%arg0: i32, %arg1: i32, %arg2: memref<160256xi32, #tpu.memory_space<hbm>>, %arg3: memref<160256xi32, #tpu.memory_space<hbm>>, %arg4: memref<10240xi32, #tpu.memory_space<hbm>>, %arg5: memref<104857600xf32, #tpu.memory_space<hbm>>, %arg6: memref<104857600xf32, #tpu.memory_space<hbm>>, %arg7: memref<5008xi32, #tpu.memory_space<vmem>>, %arg8: memref<5008xi32, #tpu.memory_space<vmem>>, %arg9: memref<10240xi32, #tpu.memory_space<vmem>>, %arg10: memref<40x128xi32, #tpu.memory_space<vmem>>, %arg11: memref<128xf32, #tpu.memory_space<vmem>>, %arg12: memref<!tpu.dma_semaphore, #tpu.memory_space<semaphore_mem>>) attributes {dimension_semantics = [#tpu.dimension_semantics<core_parallel>, #tpu.dimension_semantics<subcore_parallel>], iteration_bounds = array<i64: 2, 16>, scalar_prefetch = 0 : i64, scratch_operands = 6 : i64, tpu.core_type = #tpu.core_type<sc_vector_subcore>, window_params = [{transform_indices = #map}, {transform_indices = #map}, {transform_indices = #map}, {transform_indices = #map}, {transform_indices = #map}]} {
    %mul3A = arith.constant 2 : i32
    %mul3A_0 = arith.muli %arg1, %mul3A : i32
    %add3A = arith.addi %mul3A_0, %arg0 : i32
    %mul3A_1 = arith.constant 5008 : i32
    %mul3A_2 = arith.muli %add3A, %mul3A_1 : i32
    "tpu.region"() ({
      %run_scoped3A = tpu.sem_alloc : memref<!tpu.dma_semaphore, #tpu.memory_space<semaphore_mem>>
      tpu.enqueue_dma source(%arg4 : memref<10240xi32, #tpu.memory_space<hbm>>) target(%arg9 : memref<10240xi32, #tpu.memory_space<vmem>>) target_semaphore(%run_scoped3A : memref<!tpu.dma_semaphore, #tpu.memory_space<semaphore_mem>>)
      tpu.wait_dma2 semaphore(%run_scoped3A : memref<!tpu.dma_semaphore, #tpu.memory_space<semaphore_mem>>) src(%arg4 : memref<10240xi32, #tpu.memory_space<hbm>>) dst(%arg9 : memref<10240xi32, #tpu.memory_space<vmem>>)
      tpu.yield
    }) : () -> ()
    "tpu.region"() ({
      %run_scoped3A = tpu.sem_alloc : memref<!tpu.dma_semaphore, #tpu.memory_space<semaphore_mem>>
      %dma_start3A = tpu.memref_slice %arg2[%mul3A_2] : memref<160256xi32, #tpu.memory_space<hbm>> -> memref<5008xi32, #tpu.memory_space<hbm>>
      %dma_start3A_148 = tpu.memref_slice %arg2[%mul3A_2] : memref<160256xi32, #tpu.memory_space<hbm>> -> memref<5008xi32, #tpu.memory_space<hbm>>
      tpu.enqueue_dma source(%dma_start3A_148 : memref<5008xi32, #tpu.memory_space<hbm>>) target(%arg7 : memref<5008xi32, #tpu.memory_space<vmem>>) target_semaphore(%run_scoped3A : memref<!tpu.dma_semaphore, #tpu.memory_space<semaphore_mem>>)
      %dma_wait3A = tpu.memref_slice %arg2[%mul3A_2] : memref<160256xi32, #tpu.memory_space<hbm>> -> memref<5008xi32, #tpu.memory_space<hbm>>
      %dma_wait3A_149 = tpu.memref_slice %arg2[%mul3A_2] : memref<160256xi32, #tpu.memory_space<hbm>> -> memref<5008xi32, #tpu.memory_space<hbm>>
      tpu.wait_dma2 semaphore(%run_scoped3A : memref<!tpu.dma_semaphore, #tpu.memory_space<semaphore_mem>>) src(%dma_wait3A_149 : memref<5008xi32, #tpu.memory_space<hbm>>) dst(%arg7 : memref<5008xi32, #tpu.memory_space<vmem>>)
      tpu.yield
    }) : () -> ()
    "tpu.region"() ({
      %run_scoped3A = tpu.sem_alloc : memref<!tpu.dma_semaphore, #tpu.memory_space<semaphore_mem>>
      %dma_start3A = tpu.memref_slice %arg3[%mul3A_2] : memref<160256xi32, #tpu.memory_space<hbm>> -> memref<5008xi32, #tpu.memory_space<hbm>>
      %dma_start3A_148 = tpu.memref_slice %arg3[%mul3A_2] : memref<160256xi32, #tpu.memory_space<hbm>> -> memref<5008xi32, #tpu.memory_space<hbm>>
      tpu.enqueue_dma source(%dma_start3A_148 : memref<5008xi32, #tpu.memory_space<hbm>>) target(%arg8 : memref<5008xi32, #tpu.memory_space<vmem>>) target_semaphore(%run_scoped3A : memref<!tpu.dma_semaphore, #tpu.memory_space<semaphore_mem>>)
      %dma_wait3A = tpu.memref_slice %arg3[%mul3A_2] : memref<160256xi32, #tpu.memory_space<hbm>> -> memref<5008xi32, #tpu.memory_space<hbm>>
      %dma_wait3A_149 = tpu.memref_slice %arg3[%mul3A_2] : memref<160256xi32, #tpu.memory_space<hbm>> -> memref<5008xi32, #tpu.memory_space<hbm>>
      tpu.wait_dma2 semaphore(%run_scoped3A : memref<!tpu.dma_semaphore, #tpu.memory_space<semaphore_mem>>) src(%dma_wait3A_149 : memref<5008xi32, #tpu.memory_space<hbm>>) dst(%arg8 : memref<5008xi32, #tpu.memory_space<vmem>>)
      tpu.yield
    }) : () -> ()
    %broadcast_in_dim3A = arith.constant 1.000000e+00 : f32
    %broadcast_in_dim3A_3 = vector.broadcast %broadcast_in_dim3A : f32 to vector<16xf32>
    %swap3A = arith.constant 0 : index
    %swap3A_4 = tpu.vector_load %arg11[%swap3A] {strides = array<i32>} : memref<128xf32, #tpu.memory_space<vmem>>, vector<16xf32>,
    tpu.vector_store %arg11[%swap3A], %broadcast_in_dim3A_3 {strides = array<i32>} : memref<128xf32, #tpu.memory_space<vmem>>, vector<16xf32>,
    %broadcast_in_dim3A_5 = arith.constant 104857599 : i32
    %broadcast_in_dim3A_6 = vector.broadcast %broadcast_in_dim3A_5 : i32 to vector<16xi32>
    %swap3A_7 = arith.constant 39 : i32
    %swap3A_8 = arith.index_cast %swap3A_7 : i32 to index
    %swap3A_9 = arith.constant 0 : index
    %swap3A_10 = tpu.vector_load %arg10[%swap3A_8, %swap3A_9] {strides = array<i32>} : memref<40x128xi32, #tpu.memory_space<vmem>>, vector<16xi32>,
    tpu.vector_store %arg10[%swap3A_8, %swap3A_9], %broadcast_in_dim3A_6 {strides = array<i32>} : memref<40x128xi32, #tpu.memory_space<vmem>>, vector<16xi32>,
    %broadcast_in_dim3A_11 = arith.constant 1.000000e+00 : f32
    %broadcast_in_dim3A_12 = vector.broadcast %broadcast_in_dim3A_11 : f32 to vector<16xf32>
    %swap3A_13 = arith.constant 16 : index
    %swap3A_14 = tpu.vector_load %arg11[%swap3A_13] {strides = array<i32>} : memref<128xf32, #tpu.memory_space<vmem>>, vector<16xf32>,
    tpu.vector_store %arg11[%swap3A_13], %broadcast_in_dim3A_12 {strides = array<i32>} : memref<128xf32, #tpu.memory_space<vmem>>, vector<16xf32>,
    %broadcast_in_dim3A_15 = arith.constant 104857599 : i32
    %broadcast_in_dim3A_16 = vector.broadcast %broadcast_in_dim3A_15 : i32 to vector<16xi32>
    %swap3A_17 = arith.constant 39 : i32
    %swap3A_18 = arith.index_cast %swap3A_17 : i32 to index
    %swap3A_19 = arith.constant 16 : index
    %swap3A_20 = tpu.vector_load %arg10[%swap3A_18, %swap3A_19] {strides = array<i32>} : memref<40x128xi32, #tpu.memory_space<vmem>>, vector<16xi32>,
    tpu.vector_store %arg10[%swap3A_18, %swap3A_19], %broadcast_in_dim3A_16 {strides = array<i32>} : memref<40x128xi32, #tpu.memory_space<vmem>>, vector<16xi32>,
    %broadcast_in_dim3A_21 = arith.constant 1.000000e+00 : f32
    %broadcast_in_dim3A_22 = vector.broadcast %broadcast_in_dim3A_21 : f32 to vector<16xf32>
    %swap3A_23 = arith.constant 32 : index
    %swap3A_24 = tpu.vector_load %arg11[%swap3A_23] {strides = array<i32>} : memref<128xf32, #tpu.memory_space<vmem>>, vector<16xf32>,
    tpu.vector_store %arg11[%swap3A_23], %broadcast_in_dim3A_22 {strides = array<i32>} : memref<128xf32, #tpu.memory_space<vmem>>, vector<16xf32>,
    %broadcast_in_dim3A_25 = arith.constant 104857599 : i32
    %broadcast_in_dim3A_26 = vector.broadcast %broadcast_in_dim3A_25 : i32 to vector<16xi32>
    %swap3A_27 = arith.constant 39 : i32
    %swap3A_28 = arith.index_cast %swap3A_27 : i32 to index
    %swap3A_29 = arith.constant 32 : index
    %swap3A_30 = tpu.vector_load %arg10[%swap3A_28, %swap3A_29] {strides = array<i32>} : memref<40x128xi32, #tpu.memory_space<vmem>>, vector<16xi32>,
    tpu.vector_store %arg10[%swap3A_28, %swap3A_29], %broadcast_in_dim3A_26 {strides = array<i32>} : memref<40x128xi32, #tpu.memory_space<vmem>>, vector<16xi32>,
    %broadcast_in_dim3A_31 = arith.constant 1.000000e+00 : f32
    %broadcast_in_dim3A_32 = vector.broadcast %broadcast_in_dim3A_31 : f32 to vector<16xf32>
    %swap3A_33 = arith.constant 48 : index
    %swap3A_34 = tpu.vector_load %arg11[%swap3A_33] {strides = array<i32>} : memref<128xf32, #tpu.memory_space<vmem>>, vector<16xf32>,
    tpu.vector_store %arg11[%swap3A_33], %broadcast_in_dim3A_32 {strides = array<i32>} : memref<128xf32, #tpu.memory_space<vmem>>, vector<16xf32>,
    %broadcast_in_dim3A_35 = arith.constant 104857599 : i32
    %broadcast_in_dim3A_36 = vector.broadcast %broadcast_in_dim3A_35 : i32 to vector<16xi32>
    %swap3A_37 = arith.constant 39 : i32
    %swap3A_38 = arith.index_cast %swap3A_37 : i32 to index
    %swap3A_39 = arith.constant 48 : index
    %swap3A_40 = tpu.vector_load %arg10[%swap3A_38, %swap3A_39] {strides = array<i32>} : memref<40x128xi32, #tpu.memory_space<vmem>>, vector<16xi32>,
    tpu.vector_store %arg10[%swap3A_38, %swap3A_39], %broadcast_in_dim3A_36 {strides = array<i32>} : memref<40x128xi32, #tpu.memory_space<vmem>>, vector<16xi32>,
    %broadcast_in_dim3A_41 = arith.constant 1.000000e+00 : f32
    %broadcast_in_dim3A_42 = vector.broadcast %broadcast_in_dim3A_41 : f32 to vector<16xf32>
    %swap3A_43 = arith.constant 64 : index
    %swap3A_44 = tpu.vector_load %arg11[%swap3A_43] {strides = array<i32>} : memref<128xf32, #tpu.memory_space<vmem>>, vector<16xf32>,
    tpu.vector_store %arg11[%swap3A_43], %broadcast_in_dim3A_42 {strides = array<i32>} : memref<128xf32, #tpu.memory_space<vmem>>, vector<16xf32>,
    %broadcast_in_dim3A_45 = arith.constant 104857599 : i32
    %broadcast_in_dim3A_46 = vector.broadcast %broadcast_in_dim3A_45 : i32 to vector<16xi32>
    %swap3A_47 = arith.constant 39 : i32
    %swap3A_48 = arith.index_cast %swap3A_47 : i32 to index
    %swap3A_49 = arith.constant 64 : index
    %swap3A_50 = tpu.vector_load %arg10[%swap3A_48, %swap3A_49] {strides = array<i32>} : memref<40x128xi32, #tpu.memory_space<vmem>>, vector<16xi32>,
    tpu.vector_store %arg10[%swap3A_48, %swap3A_49], %broadcast_in_dim3A_46 {strides = array<i32>} : memref<40x128xi32, #tpu.memory_space<vmem>>, vector<16xi32>,
    %broadcast_in_dim3A_51 = arith.constant 1.000000e+00 : f32
    %broadcast_in_dim3A_52 = vector.broadcast %broadcast_in_dim3A_51 : f32 to vector<16xf32>
    %swap3A_53 = arith.constant 80 : index
    %swap3A_54 = tpu.vector_load %arg11[%swap3A_53] {strides = array<i32>} : memref<128xf32, #tpu.memory_space<vmem>>, vector<16xf32>,
    tpu.vector_store %arg11[%swap3A_53], %broadcast_in_dim3A_52 {strides = array<i32>} : memref<128xf32, #tpu.memory_space<vmem>>, vector<16xf32>,
    %broadcast_in_dim3A_55 = arith.constant 104857599 : i32
    %broadcast_in_dim3A_56 = vector.broadcast %broadcast_in_dim3A_55 : i32 to vector<16xi32>
    %swap3A_57 = arith.constant 39 : i32
    %swap3A_58 = arith.index_cast %swap3A_57 : i32 to index
    %swap3A_59 = arith.constant 80 : index
    %swap3A_60 = tpu.vector_load %arg10[%swap3A_58, %swap3A_59] {strides = array<i32>} : memref<40x128xi32, #tpu.memory_space<vmem>>, vector<16xi32>,
    tpu.vector_store %arg10[%swap3A_58, %swap3A_59], %broadcast_in_dim3A_56 {strides = array<i32>} : memref<40x128xi32, #tpu.memory_space<vmem>>, vector<16xi32>,
    %broadcast_in_dim3A_61 = arith.constant 1.000000e+00 : f32
    %broadcast_in_dim3A_62 = vector.broadcast %broadcast_in_dim3A_61 : f32 to vector<16xf32>
    %swap3A_63 = arith.constant 96 : index
    %swap3A_64 = tpu.vector_load %arg11[%swap3A_63] {strides = array<i32>} : memref<128xf32, #tpu.memory_space<vmem>>, vector<16xf32>,
    tpu.vector_store %arg11[%swap3A_63], %broadcast_in_dim3A_62 {strides = array<i32>} : memref<128xf32, #tpu.memory_space<vmem>>, vector<16xf32>,
    %broadcast_in_dim3A_65 = arith.constant 104857599 : i32
    %broadcast_in_dim3A_66 = vector.broadcast %broadcast_in_dim3A_65 : i32 to vector<16xi32>
    %swap3A_67 = arith.constant 39 : i32
    %swap3A_68 = arith.index_cast %swap3A_67 : i32 to index
    %swap3A_69 = arith.constant 96 : index
    %swap3A_70 = tpu.vector_load %arg10[%swap3A_68, %swap3A_69] {strides = array<i32>} : memref<40x128xi32, #tpu.memory_space<vmem>>, vector<16xi32>,
    tpu.vector_store %arg10[%swap3A_68, %swap3A_69], %broadcast_in_dim3A_66 {strides = array<i32>} : memref<40x128xi32, #tpu.memory_space<vmem>>, vector<16xi32>,
    %broadcast_in_dim3A_71 = arith.constant 1.000000e+00 : f32
    %broadcast_in_dim3A_72 = vector.broadcast %broadcast_in_dim3A_71 : f32 to vector<16xf32>
    %swap3A_73 = arith.constant 112 : index
    %swap3A_74 = tpu.vector_load %arg11[%swap3A_73] {strides = array<i32>} : memref<128xf32, #tpu.memory_space<vmem>>, vector<16xf32>,
    tpu.vector_store %arg11[%swap3A_73], %broadcast_in_dim3A_72 {strides = array<i32>} : memref<128xf32, #tpu.memory_space<vmem>>, vector<16xf32>,
    %broadcast_in_dim3A_75 = arith.constant 104857599 : i32
    %broadcast_in_dim3A_76 = vector.broadcast %broadcast_in_dim3A_75 : i32 to vector<16xi32>
    %swap3A_77 = arith.constant 39 : i32
    %swap3A_78 = arith.index_cast %swap3A_77 : i32 to index
    %swap3A_79 = arith.constant 112 : index
    %swap3A_80 = tpu.vector_load %arg10[%swap3A_78, %swap3A_79] {strides = array<i32>} : memref<40x128xi32, #tpu.memory_space<vmem>>, vector<16xi32>,
    tpu.vector_store %arg10[%swap3A_78, %swap3A_79], %broadcast_in_dim3A_76 {strides = array<i32>} : memref<40x128xi32, #tpu.memory_space<vmem>>, vector<16xi32>,
    %scan3A = arith.constant 0 : i32
    %scan3A_81 = arith.constant 312 : i32
    %scan3A_82 = arith.addi %scan3A, %scan3A_81 : i32
    %scan3A_83 = arith.constant 4 : i32
    scf.for %scan3A_148 = %scan3A to %scan3A_82 step %scan3A_83  : i32 {
      %mul3A_149 = arith.constant 1 : i32
      %mul3A_150 = arith.muli %scan3A_148, %mul3A_149 : i32
      %add3A_151 = arith.constant 0 : i32
      %add3A_152 = arith.addi %add3A_151, %mul3A_150 : i32
      %mul3A_153 = arith.constant 16 : i32
      %mul3A_154 = arith.muli %add3A_152, %mul3A_153 : i32
      %get3A_155 = arith.index_cast %mul3A_154 : i32 to index
      %get3A_156 = tpu.vector_load %arg7[%get3A_155] {strides = array<i32>} : memref<5008xi32, #tpu.memory_space<vmem>>, vector<16xi32>,
      %mul3A_157 = arith.constant 16 : i32
      %mul3A_158 = arith.muli %add3A_152, %mul3A_157 : i32
      %get3A_159 = arith.index_cast %mul3A_158 : i32 to index
      %get3A_160 = tpu.vector_load %arg8[%get3A_159] {strides = array<i32>} : memref<5008xi32, #tpu.memory_space<vmem>>, vector<16xi32>,
      %gather3A_161 = tpu.vector_load_idx %arg9[%get3A_156] : memref<10240xi32, #tpu.memory_space<vmem>>[vector<16xi32>], vector<16xi32>,
      %gather3A_162 = tpu.vector_load_idx %arg9[%get3A_160] : memref<10240xi32, #tpu.memory_space<vmem>>[vector<16xi32>], vector<16xi32>,
      %min3A_163 = arith.minsi %gather3A_161, %gather3A_162 : vector<16xi32>
      %max3A_164 = arith.maxsi %gather3A_161, %gather3A_162 : vector<16xi32>
      %mul3A_165 = arith.constant 10240 : i32
      %mul3A_166 = vector.broadcast %mul3A_165 : i32 to vector<16xi32>
      %mul3A_167 = arith.muli %min3A_163, %mul3A_166 : vector<16xi32>
      %add3A_168 = arith.addi %mul3A_167, %max3A_164 : vector<16xi32>
      %jit3A_169 = arith.constant 8 : i32
      %div3A_170 = arith.divsi %add3A_152, %jit3A_169 : i32
      %sign3A_171 = arith.constant 0 : i32
      %sign3A_172 = arith.cmpi sgt, %add3A_152, %sign3A_171 : i32
      %sign3A_173 = arith.extui %sign3A_172 : i1 to i32
      %sign3A_174 = arith.constant 0 : i32
      %sign3A_175 = arith.cmpi slt, %add3A_152, %sign3A_174 : i32
      %sign3A_176 = arith.extui %sign3A_175 : i1 to i32
      %sign3A_177 = arith.subi %sign3A_173, %sign3A_176 : i32
      %sign3A_178 = arith.constant 0 : i32
      %sign3A_179 = arith.cmpi sgt, %jit3A_169, %sign3A_178 : i32
      %sign3A_180 = arith.extui %sign3A_179 : i1 to i32
      %sign3A_181 = arith.constant 0 : i32
      %sign3A_182 = arith.cmpi slt, %jit3A_169, %sign3A_181 : i32
      %sign3A_183 = arith.extui %sign3A_182 : i1 to i32
      %sign3A_184 = arith.subi %sign3A_180, %sign3A_183 : i32
      %ne3A_185 = arith.cmpi ne, %sign3A_177, %sign3A_184 : i32
      %rem3A_186 = arith.remsi %add3A_152, %jit3A_169 : i32
      %ne3A_187 = arith.constant 0 : i32
      %ne3A_188 = arith.cmpi ne, %rem3A_186, %ne3A_187 : i32
      %and3A_189 = arith.andi %ne3A_185, %ne3A_188 : i1
      %sub3A_190 = arith.constant 1 : i32
      %sub3A_191 = arith.subi %div3A_170, %sub3A_190 : i32
      %select_n3A_192 = arith.select %and3A_189, %sub3A_191, %div3A_170 : i32
      %jit3A_193 = arith.constant 8 : i32
      %eq3A_194 = arith.constant 0 : i32
      %eq3A_195 = arith.cmpi eq, %jit3A_193, %eq3A_194 : i32
      %jit3A_196 = arith.constant 1 : i32
      %select_n3A_197 = arith.select %eq3A_195, %jit3A_196, %jit3A_193 : i32
      %rem3A_198 = arith.remsi %add3A_152, %select_n3A_197 : i32
      %ne3A_199 = arith.constant 0 : i32
      %ne3A_200 = arith.cmpi ne, %rem3A_198, %ne3A_199 : i32
      %lt3A_201 = arith.constant 0 : i32
      %lt3A_202 = arith.cmpi slt, %rem3A_198, %lt3A_201 : i32
      %lt3A_203 = arith.constant 0 : i32
      %lt3A_204 = arith.cmpi slt, %select_n3A_197, %lt3A_203 : i32
      %ne3A_205 = arith.xori %lt3A_202, %lt3A_204 : i1
      %and3A_206 = arith.andi %ne3A_205, %ne3A_200 : i1
      %add3A_207 = arith.addi %rem3A_198, %select_n3A_197 : i32
      %select_n3A_208 = arith.select %and3A_206, %add3A_207, %rem3A_198 : i32
      %mul3A_209 = arith.constant 16 : i32
      %mul3A_210 = arith.muli %select_n3A_208, %mul3A_209 : i32
      %swap3A_211 = arith.index_cast %select_n3A_192 : i32 to index
      %swap3A_212 = arith.index_cast %mul3A_210 : i32 to index
      %swap3A_213 = tpu.vector_load %arg10[%swap3A_211, %swap3A_212] {strides = array<i32>} : memref<40x128xi32, #tpu.memory_space<vmem>>, vector<16xi32>,
      tpu.vector_store %arg10[%swap3A_211, %swap3A_212], %add3A_168 {strides = array<i32>} : memref<40x128xi32, #tpu.memory_space<vmem>>, vector<16xi32>,
      %scan3A_214 = arith.constant 1 : i32
      %scan3A_215 = arith.addi %scan3A_148, %scan3A_214 : i32
      %mul3A_216 = arith.constant 1 : i32
      %mul3A_217 = arith.muli %scan3A_215, %mul3A_216 : i32
      %add3A_218 = arith.constant 0 : i32
      %add3A_219 = arith.addi %add3A_218, %mul3A_217 : i32
      %mul3A_220 = arith.constant 16 : i32
      %mul3A_221 = arith.muli %add3A_219, %mul3A_220 : i32
      %get3A_222 = arith.index_cast %mul3A_221 : i32 to index
      %get3A_223 = tpu.vector_load %arg7[%get3A_222] {strides = array<i32>} : memref<5008xi32, #tpu.memory_space<vmem>>, vector<16xi32>,
      %mul3A_224 = arith.constant 16 : i32
      %mul3A_225 = arith.muli %add3A_219, %mul3A_224 : i32
      %get3A_226 = arith.index_cast %mul3A_225 : i32 to index
      %get3A_227 = tpu.vector_load %arg8[%get3A_226] {strides = array<i32>} : memref<5008xi32, #tpu.memory_space<vmem>>, vector<16xi32>,
      %gather3A_228 = tpu.vector_load_idx %arg9[%get3A_223] : memref<10240xi32, #tpu.memory_space<vmem>>[vector<16xi32>], vector<16xi32>,
      %gather3A_229 = tpu.vector_load_idx %arg9[%get3A_227] : memref<10240xi32, #tpu.memory_space<vmem>>[vector<16xi32>], vector<16xi32>,
      %min3A_230 = arith.minsi %gather3A_228, %gather3A_229 : vector<16xi32>
      %max3A_231 = arith.maxsi %gather3A_228, %gather3A_229 : vector<16xi32>
      %mul3A_232 = arith.constant 10240 : i32
      %mul3A_233 = vector.broadcast %mul3A_232 : i32 to vector<16xi32>
      %mul3A_234 = arith.muli %min3A_230, %mul3A_233 : vector<16xi32>
      %add3A_235 = arith.addi %mul3A_234, %max3A_231 : vector<16xi32>
      %jit3A_236 = arith.constant 8 : i32
      %div3A_237 = arith.divsi %add3A_219, %jit3A_236 : i32
      %sign3A_238 = arith.constant 0 : i32
      %sign3A_239 = arith.cmpi sgt, %add3A_219, %sign3A_238 : i32
      %sign3A_240 = arith.extui %sign3A_239 : i1 to i32
      %sign3A_241 = arith.constant 0 : i32
      %sign3A_242 = arith.cmpi slt, %add3A_219, %sign3A_241 : i32
      %sign3A_243 = arith.extui %sign3A_242 : i1 to i32
      %sign3A_244 = arith.subi %sign3A_240, %sign3A_243 : i32
      %sign3A_245 = arith.constant 0 : i32
      %sign3A_246 = arith.cmpi sgt, %jit3A_236, %sign3A_245 : i32
      %sign3A_247 = arith.extui %sign3A_246 : i1 to i32
      %sign3A_248 = arith.constant 0 : i32
      %sign3A_249 = arith.cmpi slt, %jit3A_236, %sign3A_248 : i32
      %sign3A_250 = arith.extui %sign3A_249 : i1 to i32
      %sign3A_251 = arith.subi %sign3A_247, %sign3A_250 : i32
      %ne3A_252 = arith.cmpi ne, %sign3A_244, %sign3A_251 : i32
      %rem3A_253 = arith.remsi %add3A_219, %jit3A_236 : i32
      %ne3A_254 = arith.constant 0 : i32
      %ne3A_255 = arith.cmpi ne, %rem3A_253, %ne3A_254 : i32
      %and3A_256 = arith.andi %ne3A_252, %ne3A_255 : i1
      %sub3A_257 = arith.constant 1 : i32
      %sub3A_258 = arith.subi %div3A_237, %sub3A_257 : i32
      %select_n3A_259 = arith.select %and3A_256, %sub3A_258, %div3A_237 : i32
      %jit3A_260 = arith.constant 8 : i32
      %eq3A_261 = arith.constant 0 : i32
      %eq3A_262 = arith.cmpi eq, %jit3A_260, %eq3A_261 : i32
      %jit3A_263 = arith.constant 1 : i32
      %select_n3A_264 = arith.select %eq3A_262, %jit3A_263, %jit3A_260 : i32
      %rem3A_265 = arith.remsi %add3A_219, %select_n3A_264 : i32
      %ne3A_266 = arith.constant 0 : i32
      %ne3A_267 = arith.cmpi ne, %rem3A_265, %ne3A_266 : i32
      %lt3A_268 = arith.constant 0 : i32
      %lt3A_269 = arith.cmpi slt, %rem3A_265, %lt3A_268 : i32
      %lt3A_270 = arith.constant 0 : i32
      %lt3A_271 = arith.cmpi slt, %select_n3A_264, %lt3A_270 : i32
      %ne3A_272 = arith.xori %lt3A_269, %lt3A_271 : i1
      %and3A_273 = arith.andi %ne3A_272, %ne3A_267 : i1
      %add3A_274 = arith.addi %rem3A_265, %select_n3A_264 : i32
      %select_n3A_275 = arith.select %and3A_273, %add3A_274, %rem3A_265 : i32
      %mul3A_276 = arith.constant 16 : i32
      %mul3A_277 = arith.muli %select_n3A_275, %mul3A_276 : i32
      %swap3A_278 = arith.index_cast %select_n3A_259 : i32 to index
      %swap3A_279 = arith.index_cast %mul3A_277 : i32 to index
      %swap3A_280 = tpu.vector_load %arg10[%swap3A_278, %swap3A_279] {strides = array<i32>} : memref<40x128xi32, #tpu.memory_space<vmem>>, vector<16xi32>,
      tpu.vector_store %arg10[%swap3A_278, %swap3A_279], %add3A_235 {strides = array<i32>} : memref<40x128xi32, #tpu.memory_space<vmem>>, vector<16xi32>,
      %scan3A_281 = arith.constant 2 : i32
      %scan3A_282 = arith.addi %scan3A_148, %scan3A_281 : i32
      %mul3A_283 = arith.constant 1 : i32
      %mul3A_284 = arith.muli %scan3A_282, %mul3A_283 : i32
      %add3A_285 = arith.constant 0 : i32
      %add3A_286 = arith.addi %add3A_285, %mul3A_284 : i32
      %mul3A_287 = arith.constant 16 : i32
      %mul3A_288 = arith.muli %add3A_286, %mul3A_287 : i32
      %get3A_289 = arith.index_cast %mul3A_288 : i32 to index
      %get3A_290 = tpu.vector_load %arg7[%get3A_289] {strides = array<i32>} : memref<5008xi32, #tpu.memory_space<vmem>>, vector<16xi32>,
      %mul3A_291 = arith.constant 16 : i32
      %mul3A_292 = arith.muli %add3A_286, %mul3A_291 : i32
      %get3A_293 = arith.index_cast %mul3A_292 : i32 to index
      %get3A_294 = tpu.vector_load %arg8[%get3A_293] {strides = array<i32>} : memref<5008xi32, #tpu.memory_space<vmem>>, vector<16xi32>,
      %gather3A_295 = tpu.vector_load_idx %arg9[%get3A_290] : memref<10240xi32, #tpu.memory_space<vmem>>[vector<16xi32>], vector<16xi32>,
      %gather3A_296 = tpu.vector_load_idx %arg9[%get3A_294] : memref<10240xi32, #tpu.memory_space<vmem>>[vector<16xi32>], vector<16xi32>,
      %min3A_297 = arith.minsi %gather3A_295, %gather3A_296 : vector<16xi32>
      %max3A_298 = arith.maxsi %gather3A_295, %gather3A_296 : vector<16xi32>
      %mul3A_299 = arith.constant 10240 : i32
      %mul3A_300 = vector.broadcast %mul3A_299 : i32 to vector<16xi32>
      %mul3A_301 = arith.muli %min3A_297, %mul3A_300 : vector<16xi32>
      %add3A_302 = arith.addi %mul3A_301, %max3A_298 : vector<16xi32>
      %jit3A_303 = arith.constant 8 : i32
      %div3A_304 = arith.divsi %add3A_286, %jit3A_303 : i32
      %sign3A_305 = arith.constant 0 : i32
      %sign3A_306 = arith.cmpi sgt, %add3A_286, %sign3A_305 : i32
      %sign3A_307 = arith.extui %sign3A_306 : i1 to i32
      %sign3A_308 = arith.constant 0 : i32
      %sign3A_309 = arith.cmpi slt, %add3A_286, %sign3A_308 : i32
      %sign3A_310 = arith.extui %sign3A_309 : i1 to i32
      %sign3A_311 = arith.subi %sign3A_307, %sign3A_310 : i32
      %sign3A_312 = arith.constant 0 : i32
      %sign3A_313 = arith.cmpi sgt, %jit3A_303, %sign3A_312 : i32
      %sign3A_314 = arith.extui %sign3A_313 : i1 to i32
      %sign3A_315 = arith.constant 0 : i32
      %sign3A_316 = arith.cmpi slt, %jit3A_303, %sign3A_315 : i32
      %sign3A_317 = arith.extui %sign3A_316 : i1 to i32
      %sign3A_318 = arith.subi %sign3A_314, %sign3A_317 : i32
      %ne3A_319 = arith.cmpi ne, %sign3A_311, %sign3A_318 : i32
      %rem3A_320 = arith.remsi %add3A_286, %jit3A_303 : i32
      %ne3A_321 = arith.constant 0 : i32
      %ne3A_322 = arith.cmpi ne, %rem3A_320, %ne3A_321 : i32
      %and3A_323 = arith.andi %ne3A_319, %ne3A_322 : i1
      %sub3A_324 = arith.constant 1 : i32
      %sub3A_325 = arith.subi %div3A_304, %sub3A_324 : i32
      %select_n3A_326 = arith.select %and3A_323, %sub3A_325, %div3A_304 : i32
      %jit3A_327 = arith.constant 8 : i32
      %eq3A_328 = arith.constant 0 : i32
      %eq3A_329 = arith.cmpi eq, %jit3A_327, %eq3A_328 : i32
      %jit3A_330 = arith.constant 1 : i32
      %select_n3A_331 = arith.select %eq3A_329, %jit3A_330, %jit3A_327 : i32
      %rem3A_332 = arith.remsi %add3A_286, %select_n3A_331 : i32
      %ne3A_333 = arith.constant 0 : i32
      %ne3A_334 = arith.cmpi ne, %rem3A_332, %ne3A_333 : i32
      %lt3A_335 = arith.constant 0 : i32
      %lt3A_336 = arith.cmpi slt, %rem3A_332, %lt3A_335 : i32
      %lt3A_337 = arith.constant 0 : i32
      %lt3A_338 = arith.cmpi slt, %select_n3A_331, %lt3A_337 : i32
      %ne3A_339 = arith.xori %lt3A_336, %lt3A_338 : i1
      %and3A_340 = arith.andi %ne3A_339, %ne3A_334 : i1
      %add3A_341 = arith.addi %rem3A_332, %select_n3A_331 : i32
      %select_n3A_342 = arith.select %and3A_340, %add3A_341, %rem3A_332 : i32
      %mul3A_343 = arith.constant 16 : i32
      %mul3A_344 = arith.muli %select_n3A_342, %mul3A_343 : i32
      %swap3A_345 = arith.index_cast %select_n3A_326 : i32 to index
      %swap3A_346 = arith.index_cast %mul3A_344 : i32 to index
      %swap3A_347 = tpu.vector_load %arg10[%swap3A_345, %swap3A_346] {strides = array<i32>} : memref<40x128xi32, #tpu.memory_space<vmem>>, vector<16xi32>,
      tpu.vector_store %arg10[%swap3A_345, %swap3A_346], %add3A_302 {strides = array<i32>} : memref<40x128xi32, #tpu.memory_space<vmem>>, vector<16xi32>,
      %scan3A_348 = arith.constant 3 : i32
      %scan3A_349 = arith.addi %scan3A_148, %scan3A_348 : i32
      %mul3A_350 = arith.constant 1 : i32
      %mul3A_351 = arith.muli %scan3A_349, %mul3A_350 : i32
      %add3A_352 = arith.constant 0 : i32
      %add3A_353 = arith.addi %add3A_352, %mul3A_351 : i32
      %mul3A_354 = arith.constant 16 : i32
      %mul3A_355 = arith.muli %add3A_353, %mul3A_354 : i32
      %get3A_356 = arith.index_cast %mul3A_355 : i32 to index
      %get3A_357 = tpu.vector_load %arg7[%get3A_356] {strides = array<i32>} : memref<5008xi32, #tpu.memory_space<vmem>>, vector<16xi32>,
      %mul3A_358 = arith.constant 16 : i32
      %mul3A_359 = arith.muli %add3A_353, %mul3A_358 : i32
      %get3A_360 = arith.index_cast %mul3A_359 : i32 to index
      %get3A_361 = tpu.vector_load %arg8[%get3A_360] {strides = array<i32>} : memref<5008xi32, #tpu.memory_space<vmem>>, vector<16xi32>,
      %gather3A_362 = tpu.vector_load_idx %arg9[%get3A_357] : memref<10240xi32, #tpu.memory_space<vmem>>[vector<16xi32>], vector<16xi32>,
      %gather3A_363 = tpu.vector_load_idx %arg9[%get3A_361] : memref<10240xi32, #tpu.memory_space<vmem>>[vector<16xi32>], vector<16xi32>,
      %min3A_364 = arith.minsi %gather3A_362, %gather3A_363 : vector<16xi32>
      %max3A_365 = arith.maxsi %gather3A_362, %gather3A_363 : vector<16xi32>
      %mul3A_366 = arith.constant 10240 : i32
      %mul3A_367 = vector.broadcast %mul3A_366 : i32 to vector<16xi32>
      %mul3A_368 = arith.muli %min3A_364, %mul3A_367 : vector<16xi32>
      %add3A_369 = arith.addi %mul3A_368, %max3A_365 : vector<16xi32>
      %jit3A_370 = arith.constant 8 : i32
      %div3A_371 = arith.divsi %add3A_353, %jit3A_370 : i32
      %sign3A_372 = arith.constant 0 : i32
      %sign3A_373 = arith.cmpi sgt, %add3A_353, %sign3A_372 : i32
      %sign3A_374 = arith.extui %sign3A_373 : i1 to i32
      %sign3A_375 = arith.constant 0 : i32
      %sign3A_376 = arith.cmpi slt, %add3A_353, %sign3A_375 : i32
      %sign3A_377 = arith.extui %sign3A_376 : i1 to i32
      %sign3A_378 = arith.subi %sign3A_374, %sign3A_377 : i32
      %sign3A_379 = arith.constant 0 : i32
      %sign3A_380 = arith.cmpi sgt, %jit3A_370, %sign3A_379 : i32
      %sign3A_381 = arith.extui %sign3A_380 : i1 to i32
      %sign3A_382 = arith.constant 0 : i32
      %sign3A_383 = arith.cmpi slt, %jit3A_370, %sign3A_382 : i32
      %sign3A_384 = arith.extui %sign3A_383 : i1 to i32
      %sign3A_385 = arith.subi %sign3A_381, %sign3A_384 : i32
      %ne3A_386 = arith.cmpi ne, %sign3A_378, %sign3A_385 : i32
      %rem3A_387 = arith.remsi %add3A_353, %jit3A_370 : i32
      %ne3A_388 = arith.constant 0 : i32
      %ne3A_389 = arith.cmpi ne, %rem3A_387, %ne3A_388 : i32
      %and3A_390 = arith.andi %ne3A_386, %ne3A_389 : i1
      %sub3A_391 = arith.constant 1 : i32
      %sub3A_392 = arith.subi %div3A_371, %sub3A_391 : i32
      %select_n3A_393 = arith.select %and3A_390, %sub3A_392, %div3A_371 : i32
      %jit3A_394 = arith.constant 8 : i32
      %eq3A_395 = arith.constant 0 : i32
      %eq3A_396 = arith.cmpi eq, %jit3A_394, %eq3A_395 : i32
      %jit3A_397 = arith.constant 1 : i32
      %select_n3A_398 = arith.select %eq3A_396, %jit3A_397, %jit3A_394 : i32
      %rem3A_399 = arith.remsi %add3A_353, %select_n3A_398 : i32
      %ne3A_400 = arith.constant 0 : i32
      %ne3A_401 = arith.cmpi ne, %rem3A_399, %ne3A_400 : i32
      %lt3A_402 = arith.constant 0 : i32
      %lt3A_403 = arith.cmpi slt, %rem3A_399, %lt3A_402 : i32
      %lt3A_404 = arith.constant 0 : i32
      %lt3A_405 = arith.cmpi slt, %select_n3A_398, %lt3A_404 : i32
      %ne3A_406 = arith.xori %lt3A_403, %lt3A_405 : i1
      %and3A_407 = arith.andi %ne3A_406, %ne3A_401 : i1
      %add3A_408 = arith.addi %rem3A_399, %select_n3A_398 : i32
      %select_n3A_409 = arith.select %and3A_407, %add3A_408, %rem3A_399 : i32
      %mul3A_410 = arith.constant 16 : i32
      %mul3A_411 = arith.muli %select_n3A_409, %mul3A_410 : i32
      %swap3A_412 = arith.index_cast %select_n3A_393 : i32 to index
      %swap3A_413 = arith.index_cast %mul3A_411 : i32 to index
      %swap3A_414 = tpu.vector_load %arg10[%swap3A_412, %swap3A_413] {strides = array<i32>} : memref<40x128xi32, #tpu.memory_space<vmem>>, vector<16xi32>,
      tpu.vector_store %arg10[%swap3A_412, %swap3A_413], %add3A_369 {strides = array<i32>} : memref<40x128xi32, #tpu.memory_space<vmem>>, vector<16xi32>,
    }
    %scan3A_84 = arith.constant 312 : i32
    %scan3A_85 = arith.addi %scan3A, %scan3A_84 : i32
    %mul3A_86 = arith.constant 1 : i32
    %mul3A_87 = arith.muli %scan3A_85, %mul3A_86 : i32
    %add3A_88 = arith.constant 0 : i32
    %add3A_89 = arith.addi %add3A_88, %mul3A_87 : i32
    %mul3A_90 = arith.constant 16 : i32
    %mul3A_91 = arith.muli %add3A_89, %mul3A_90 : i32
    %get3A = arith.index_cast %mul3A_91 : i32 to index
    %get3A_92 = tpu.vector_load %arg7[%get3A] {strides = array<i32>} : memref<5008xi32, #tpu.memory_space<vmem>>, vector<16xi32>,
    %mul3A_93 = arith.constant 16 : i32
    %mul3A_94 = arith.muli %add3A_89, %mul3A_93 : i32
    %get3A_95 = arith.index_cast %mul3A_94 : i32 to index
    %get3A_96 = tpu.vector_load %arg8[%get3A_95] {strides = array<i32>} : memref<5008xi32, #tpu.memory_space<vmem>>, vector<16xi32>,
    %gather3A = tpu.vector_load_idx %arg9[%get3A_92] : memref<10240xi32, #tpu.memory_space<vmem>>[vector<16xi32>], vector<16xi32>,
    %gather3A_97 = tpu.vector_load_idx %arg9[%get3A_96] : memref<10240xi32, #tpu.memory_space<vmem>>[vector<16xi32>], vector<16xi32>,
    %min3A = arith.minsi %gather3A, %gather3A_97 : vector<16xi32>
    %max3A = arith.maxsi %gather3A, %gather3A_97 : vector<16xi32>
    %mul3A_98 = arith.constant 10240 : i32
    %mul3A_99 = vector.broadcast %mul3A_98 : i32 to vector<16xi32>
    %mul3A_100 = arith.muli %min3A, %mul3A_99 : vector<16xi32>
    %add3A_101 = arith.addi %mul3A_100, %max3A : vector<16xi32>
    %jit3A = arith.constant 8 : i32
    %div3A = arith.divsi %add3A_89, %jit3A : i32
    %sign3A = arith.constant 0 : i32
    %sign3A_102 = arith.cmpi sgt, %add3A_89, %sign3A : i32
    %sign3A_103 = arith.extui %sign3A_102 : i1 to i32
    %sign3A_104 = arith.constant 0 : i32
    %sign3A_105 = arith.cmpi slt, %add3A_89, %sign3A_104 : i32
    %sign3A_106 = arith.extui %sign3A_105 : i1 to i32
    %sign3A_107 = arith.subi %sign3A_103, %sign3A_106 : i32
    %sign3A_108 = arith.constant 0 : i32
    %sign3A_109 = arith.cmpi sgt, %jit3A, %sign3A_108 : i32
    %sign3A_110 = arith.extui %sign3A_109 : i1 to i32
    %sign3A_111 = arith.constant 0 : i32
    %sign3A_112 = arith.cmpi slt, %jit3A, %sign3A_111 : i32
    %sign3A_113 = arith.extui %sign3A_112 : i1 to i32
    %sign3A_114 = arith.subi %sign3A_110, %sign3A_113 : i32
    %ne3A = arith.cmpi ne, %sign3A_107, %sign3A_114 : i32
    %rem3A = arith.remsi %add3A_89, %jit3A : i32
    %ne3A_115 = arith.constant 0 : i32
    %ne3A_116 = arith.cmpi ne, %rem3A, %ne3A_115 : i32
    %and3A = arith.andi %ne3A, %ne3A_116 : i1
    %sub3A = arith.constant 1 : i32
    %sub3A_117 = arith.subi %div3A, %sub3A : i32
    %select_n3A = arith.select %and3A, %sub3A_117, %div3A : i32
    %jit3A_118 = arith.constant 8 : i32
    %eq3A = arith.constant 0 : i32
    %eq3A_119 = arith.cmpi eq, %jit3A_118, %eq3A : i32
    %jit3A_120 = arith.constant 1 : i32
    %select_n3A_121 = arith.select %eq3A_119, %jit3A_120, %jit3A_118 : i32
    %rem3A_122 = arith.remsi %add3A_89, %select_n3A_121 : i32
    %ne3A_123 = arith.constant 0 : i32
    %ne3A_124 = arith.cmpi ne, %rem3A_122, %ne3A_123 : i32
    %lt3A = arith.constant 0 : i32
    %lt3A_125 = arith.cmpi slt, %rem3A_122, %lt3A : i32
    %lt3A_126 = arith.constant 0 : i32
    %lt3A_127 = arith.cmpi slt, %select_n3A_121, %lt3A_126 : i32
    %ne3A_128 = arith.xori %lt3A_125, %lt3A_127 : i1
    %and3A_129 = arith.andi %ne3A_128, %ne3A_124 : i1
    %add3A_130 = arith.addi %rem3A_122, %select_n3A_121 : i32
    %select_n3A_131 = arith.select %and3A_129, %add3A_130, %rem3A_122 : i32
    %mul3A_132 = arith.constant 16 : i32
    %mul3A_133 = arith.muli %select_n3A_131, %mul3A_132 : i32
    %swap3A_134 = arith.index_cast %select_n3A : i32 to index
    %swap3A_135 = arith.index_cast %mul3A_133 : i32 to index
    %swap3A_136 = tpu.vector_load %arg10[%swap3A_134, %swap3A_135] {strides = array<i32>} : memref<40x128xi32, #tpu.memory_space<vmem>>, vector<16xi32>,
    tpu.vector_store %arg10[%swap3A_134, %swap3A_135], %add3A_101 {strides = array<i32>} : memref<40x128xi32, #tpu.memory_space<vmem>>, vector<16xi32>,
    %scan3A_137 = arith.constant 313 : i32
    %scan3A_138 = arith.constant 0 : i32
    %scan3A_139 = arith.constant 40 : i32
    %scan3A_140 = arith.addi %scan3A_138, %scan3A_139 : i32
    %scan3A_141 = arith.constant 1 : i32
    scf.for %scan3A_148 = %scan3A_138 to %scan3A_140 step %scan3A_141  : i32 {
      %mul3A_149 = arith.constant 1 : i32
      %mul3A_150 = arith.muli %scan3A_148, %mul3A_149 : i32
      %add3A_151 = arith.constant 0 : i32
      %add3A_152 = arith.addi %add3A_151, %mul3A_150 : i32
      %dma_start3A = arith.constant 0 : i32
      %dma_start3A_153 = tpu.memref_slice %arg10[%add3A_152, %dma_start3A] : memref<40x128xi32, #tpu.memory_space<vmem>> -> memref<1x128xi32, #tpu.memory_space<vmem>>
      %dma_start3A_154 = tpu.memref_squeeze %dma_start3A_153 : memref<1x128xi32, #tpu.memory_space<vmem>> -> memref<128xi32, #tpu.memory_space<vmem>>
      %dma_start3A_155 = arith.constant 0 : i32
      %dma_start3A_156 = tpu.memref_slice %arg5[%dma_start3A_155] : memref<104857600xf32, #tpu.memory_space<hbm>> -> memref<104857600xf32, #tpu.memory_space<hbm>>
      tpu.enqueue_indirect_dma source(%arg11 : memref<128xf32, #tpu.memory_space<vmem>>) target(%dma_start3A_156 : memref<104857600xf32, #tpu.memory_space<hbm>>) offsets(%dma_start3A_154 : memref<128xi32, #tpu.memory_space<vmem>>) semaphore(%arg12 : memref<!tpu.dma_semaphore, #tpu.memory_space<semaphore_mem>>)
    }
    %scan3A_142 = arith.constant 40 : i32
    %scan3A_143 = arith.constant 0 : i32
    %scan3A_144 = arith.constant 40 : i32
    %scan3A_145 = arith.addi %scan3A_143, %scan3A_144 : i32
    %scan3A_146 = arith.constant 1 : i32
    scf.for %scan3A_148 = %scan3A_143 to %scan3A_145 step %scan3A_146  : i32 {
      %mul3A_149 = arith.constant 1 : i32
      %mul3A_150 = arith.muli %scan3A_148, %mul3A_149 : i32
      %add3A_151 = arith.constant 0 : i32
      %add3A_152 = arith.addi %add3A_151, %mul3A_150 : i32
      %dma_wait3A = arith.constant 0 : i32
      %dma_wait3A_153 = arith.constant 0 : i32
      %dma_wait3A_154 = tpu.memref_slice %arg10[%dma_wait3A, %dma_wait3A_153] : memref<40x128xi32, #tpu.memory_space<vmem>> -> memref<1x128xi32, #tpu.memory_space<vmem>>
      %dma_wait3A_155 = tpu.memref_squeeze %dma_wait3A_154 : memref<1x128xi32, #tpu.memory_space<vmem>> -> memref<128xi32, #tpu.memory_space<vmem>>
      %dma_wait3A_156 = arith.constant 0 : i32
      %dma_wait3A_157 = tpu.memref_slice %arg5[%dma_wait3A_156] : memref<104857600xf32, #tpu.memory_space<hbm>> -> memref<104857600xf32, #tpu.memory_space<hbm>>
      tpu.wait_indirect_dma semaphore(%arg12 : memref<!tpu.dma_semaphore, #tpu.memory_space<semaphore_mem>>) src(%arg11 : memref<128xf32, #tpu.memory_space<vmem>>) dst(%dma_wait3A_157 : memref<104857600xf32, #tpu.memory_space<hbm>>)
    }
    %scan3A_147 = arith.constant 40 : i32
    return
  }
}

module attributes {stable_mosaic.version = 14 : i64} {
  func.func @_rank_body(%arg0: i32, %arg1: memref<80x128xf32, #tpu.memory_space<vmem>>, %arg2: memref<1x1x128xi32, #tpu.memory_space<vmem>>, %arg3: memref<1x10240x128xf32, #tpu.memory_space<vmem>>) attributes {dimension_semantics = [#tpu.dimension_semantics<arbitrary>], iteration_bounds = array<i64: 80>, scalar_prefetch = 0 : i64, scratch_operands = 0 : i64, tpu.core_type = #tpu.core_type<tc>, window_params = [{pipeline_mode = #tpu.pipeline_mode<synchronous>, transform_indices = @transform_0, window_bounds = array<i64: 80, 128>}, {transform_indices = @transform_1, window_bounds = array<i64: 1, 1, 128>}, {transform_indices = @transform_2, window_bounds = array<i64: 1, 10240, 128>}]} {
    %broadcast_in_dim3A = arith.constant 0.000000e+00 : f32
    %broadcast_in_dim3A_0 = vector.broadcast %broadcast_in_dim3A : f32 to vector<1x10240x128xf32>
    %swap3A = arith.constant 0 : index
    %swap3A_1 = arith.constant 0 : index
    %swap3A_2 = arith.constant 0 : index
    %swap3A_3 = vector.load %arg3[%swap3A, %swap3A_1, %swap3A_2] : memref<1x10240x128xf32, #tpu.memory_space<vmem>>, vector<1x10240x128xf32>
    tpu.vector_store %arg3[%swap3A, %swap3A_1, %swap3A_2], %broadcast_in_dim3A_0 {strides = array<i32>} : memref<1x10240x128xf32, #tpu.memory_space<vmem>>, vector<1x10240x128xf32>,
    %get3A = arith.constant 0 : index
    %get3A_4 = arith.constant 0 : index
    %get3A_5 = vector.load %arg1[%get3A, %get3A_4] : memref<80x128xf32, #tpu.memory_space<vmem>>, vector<80x128xf32>
    %get3A_6 = arith.index_cast %arg0 : i32 to index
    %get3A_7 = arith.constant 0 : index
    %get3A_8 = vector.load %arg1[%get3A_6, %get3A_7] : memref<80x128xf32, #tpu.memory_space<vmem>>, vector<1x128xf32>
    %bitcast_convert_type3A = tpu.bitcast %get3A_5 : vector<80x128xf32> -> vector<80x128xi32>
    %bitcast_convert_type3A_9 = tpu.bitcast %get3A_8 : vector<1x128xf32> -> vector<1x128xi32>
    %broadcast_in_dim3A_10 = vector.shape_cast %bitcast_convert_type3A : vector<80x128xi32> to vector<80x128x1xi32>
    %broadcast_in_dim3A_11 = vector.shape_cast %bitcast_convert_type3A_9 : vector<1x128xi32> to vector<1x1x128xi32>
    %iota3A = tpu.iota {dimensions = array<i32: 0>} : vector<80x128x128xi32>
    %mul3A = arith.constant 128 : i32
    %mul3A_12 = vector.broadcast %mul3A : i32 to vector<80x128x128xi32>
    %mul3A_13 = arith.muli %iota3A, %mul3A_12 : vector<80x128x128xi32>
    %iota3A_14 = tpu.iota {dimensions = array<i32: 1>} : vector<80x128x128xi32>
    %add3A = arith.addi %mul3A_13, %iota3A_14 : vector<80x128x128xi32>
    %mul3A_15 = arith.constant 128 : i32
    %mul3A_16 = arith.muli %arg0, %mul3A_15 : i32
    %iota3A_17 = tpu.iota {dimensions = array<i32: 2>} : vector<80x128x128xi32>
    %add3A_18 = vector.broadcast %mul3A_16 : i32 to vector<80x128x128xi32>
    %add3A_19 = arith.addi %add3A_18, %iota3A_17 : vector<80x128x128xi32>
    %lt3A = arith.cmpi slt, %add3A, %add3A_19 : vector<80x128x128xi32>
    %jit3A = arith.constant 1 : i32
    %jit3A_20 = arith.constant 0 : i32
    %broadcast_in_dim3A_21 = vector.broadcast %jit3A : i32 to vector<80x128x128xi32>
    %broadcast_in_dim3A_22 = vector.broadcast %jit3A_20 : i32 to vector<80x128x128xi32>
    %select_n3A = arith.select %lt3A, %broadcast_in_dim3A_21, %broadcast_in_dim3A_22 : vector<80x128x128xi1>, vector<80x128x128xi32>
    %lt3A_23 = vector.broadcast %broadcast_in_dim3A_10 : vector<80x128x1xi32> to vector<80x128x128xi32>
    %lt3A_24 = vector.broadcast %broadcast_in_dim3A_11 : vector<1x1x128xi32> to vector<80x128x128xi32>
    %lt3A_25 = arith.cmpi slt, %lt3A_23, %lt3A_24 : vector<80x128x128xi32>
    %eq3A = vector.broadcast %broadcast_in_dim3A_10 : vector<80x128x1xi32> to vector<80x128x128xi32>
    %eq3A_26 = vector.broadcast %broadcast_in_dim3A_11 : vector<1x1x128xi32> to vector<80x128x128xi32>
    %eq3A_27 = arith.cmpi eq, %eq3A, %eq3A_26 : vector<80x128x128xi32>
    %jit3A_28 = arith.constant 0 : i32
    %broadcast_in_dim3A_29 = vector.broadcast %jit3A_28 : i32 to vector<80x128x128xi32>
    %select_n3A_30 = arith.select %eq3A_27, %select_n3A, %broadcast_in_dim3A_29 : vector<80x128x128xi1>, vector<80x128x128xi32>
    %jit3A_31 = arith.constant 1 : i32
    %broadcast_in_dim3A_32 = vector.broadcast %jit3A_31 : i32 to vector<80x128x128xi32>
    %select_n3A_33 = arith.select %lt3A_25, %broadcast_in_dim3A_32, %select_n3A_30 : vector<80x128x128xi1>, vector<80x128x128xi32>
    %reduce_sum3A = arith.constant dense<0> : vector<128xi32>
    %reduce_sum3A_34 = vector.multi_reduction <add>, %select_n3A_33, %reduce_sum3A [0, 1] : vector<80x128x128xi32> to vector<128xi32>
    %swap3A_35 = arith.constant 0 : index
    %swap3A_36 = arith.constant 0 : index
    %swap3A_37 = arith.constant 0 : index
    %swap3A_38 = vector.load %arg2[%swap3A_35, %swap3A_36, %swap3A_37] : memref<1x1x128xi32, #tpu.memory_space<vmem>>, vector<1x1x128xi32>
    %swap3A_39 = vector.shape_cast %swap3A_38 : vector<1x1x128xi32> to vector<128xi32>
    %swap3A_40 = vector.shape_cast %reduce_sum3A_34 : vector<128xi32> to vector<1x1x128xi32>
    tpu.vector_store %arg2[%swap3A_35, %swap3A_36, %swap3A_37], %swap3A_40 {strides = array<i32>} : memref<1x1x128xi32, #tpu.memory_space<vmem>>, vector<1x1x128xi32>,
    return
  }
  func.func @transform_0(%arg0: i32) -> (i32, i32) {
    %c0_i32 = arith.constant 0 : i32
    %c0_i32_0 = arith.constant 0 : i32
    %c0_i32_1 = arith.constant 0 : i32
    return %c0_i32, %c0_i32_0 : i32, i32
  }
  func.func @transform_1(%arg0: i32) -> (i32, i32, i32) {
    %c0_i32 = arith.constant 0 : i32
    %c0_i32_0 = arith.constant 0 : i32
    %c0_i32_1 = arith.constant 0 : i32
    return %arg0, %c0_i32, %c0_i32_0 : i32, i32, i32
  }
  func.func @transform_2(%arg0: i32) -> (i32, i32, i32) {
    %c0_i32 = arith.constant 0 : i32
    %c0_i32_0 = arith.constant 0 : i32
    %c0_i32_1 = arith.constant 0 : i32
    return %arg0, %c0_i32, %c0_i32_0 : i32, i32, i32
  }
}

module attributes {stable_mosaic.version = 14 : i64} {
  func.func @_mm_body(%arg0: i32, %arg1: memref<1x256x10240xf32, #tpu.memory_space<vmem>>, %arg2: memref<10240x256xbf16, #tpu.memory_space<vmem>>, %arg3: memref<10x256xf32, #tpu.memory_space<vmem>>, %arg4: memref<1x10xf32, #tpu.memory_space<vmem>>, %arg5: memref<1x256xf32, #tpu.memory_space<vmem>>) attributes {dimension_semantics = [#tpu.dimension_semantics<arbitrary>], iteration_bounds = array<i64: 40>, scalar_prefetch = 0 : i64, scratch_operands = 1 : i64, tpu.core_type = #tpu.core_type<tc>, window_params = [{transform_indices = @transform_0, window_bounds = array<i64: 1, 256, 10240>}, {pipeline_mode = #tpu.pipeline_mode<synchronous>, transform_indices = @transform_1, window_bounds = array<i64: 10240, 256>}, {pipeline_mode = #tpu.pipeline_mode<synchronous>, transform_indices = @transform_2, window_bounds = array<i64: 10, 256>}, {pipeline_mode = #tpu.pipeline_mode<synchronous>, transform_indices = @transform_3, window_bounds = array<i64: 1, 10>}]} {
    %eq3A = arith.constant 0 : i32
    %eq3A_0 = arith.cmpi eq, %arg0, %eq3A : i32
    %convert_element_type3A = arith.extui %eq3A_0 : i1 to i32
    %cond3A = arith.constant 0 : i32
    %cond3A_1 = arith.cmpi ne, %convert_element_type3A, %cond3A : i32
    scf.if %cond3A_1 {
      %broadcast_in_dim3A = arith.constant 0.000000e+00 : f32
      %broadcast_in_dim3A_31 = vector.broadcast %broadcast_in_dim3A : f32 to vector<1x256xf32>
      %swap3A_32 = arith.constant 0 : index
      %swap3A_33 = arith.constant 0 : index
      %swap3A_34 = vector.load %arg5[%swap3A_32, %swap3A_33] : memref<1x256xf32, #tpu.memory_space<vmem>>, vector<1x256xf32>
      tpu.vector_store %arg5[%swap3A_32, %swap3A_33], %broadcast_in_dim3A_31 {strides = array<i32>} : memref<1x256xf32, #tpu.memory_space<vmem>>, vector<1x256xf32>,
    } else {
    }
    %get3A = arith.constant 0 : index
    %get3A_2 = arith.constant 0 : index
    %get3A_3 = arith.constant 0 : index
    %get3A_4 = vector.load %arg1[%get3A, %get3A_2, %get3A_3] : memref<1x256x10240xf32, #tpu.memory_space<vmem>>, vector<1x256x10240xf32>
    %get3A_5 = vector.shape_cast %get3A_4 : vector<1x256x10240xf32> to vector<256x10240xf32>
    %convert_element_type3A_6 = arith.truncf %get3A_5 : vector<256x10240xf32> to vector<256x10240xbf16>
    %get3A_7 = arith.constant 0 : index
    %get3A_8 = arith.constant 0 : index
    %get3A_9 = vector.load %arg2[%get3A_7, %get3A_8] : memref<10240x256xbf16, #tpu.memory_space<vmem>>, vector<10240x256xbf16>
    %dot_general3A = arith.constant dense<0.000000e+00> : vector<256x256xf32>
    %dot_general3A_10 = tpu.matmul %convert_element_type3A_6, %get3A_9, %dot_general3A {dimension_numbers = #tpu.dot_dimension_numbers<[1], [0], [0], [1], [0, 0, 1, 1], [], []>, transpose_lhs_hint = false} : vector<256x10240xbf16>, vector<10240x256xbf16>, vector<256x256xf32> -> vector<256x256xf32>
    %mul3A = arith.constant 256 : i32
    %mul3A_11 = arith.muli %arg0, %mul3A : i32
    %get3A_12 = arith.index_cast %mul3A_11 : i32 to index
    %get3A_13 = arith.constant 0 : index
    %get3A_14 = vector.load %arg2[%get3A_12, %get3A_13] : memref<10240x256xbf16, #tpu.memory_space<vmem>>, vector<256x256xbf16>
    %convert_element_type3A_15 = arith.extf %get3A_14 : vector<256x256xbf16> to vector<256x256xf32>
    %get3A_16 = arith.constant 0 : index
    %get3A_17 = arith.constant 0 : index
    %get3A_18 = vector.load %arg5[%get3A_16, %get3A_17] : memref<1x256xf32, #tpu.memory_space<vmem>>, vector<1x256xf32>
    %get3A_19 = vector.shape_cast %get3A_18 : vector<1x256xf32> to vector<256xf32>
    %mul3A_20 = arith.mulf %convert_element_type3A_15, %dot_general3A_10 : vector<256x256xf32>
    %reduce_sum3A = arith.constant dense<0.000000e+00> : vector<256xf32>
    %reduce_sum3A_21 = vector.multi_reduction <add>, %mul3A_20, %reduce_sum3A [0] : vector<256x256xf32> to vector<256xf32>
    %add3A = arith.addf %get3A_19, %reduce_sum3A_21 : vector<256xf32>
    %swap3A = arith.constant 0 : index
    %swap3A_22 = arith.constant 0 : index
    %swap3A_23 = vector.load %arg5[%swap3A, %swap3A_22] : memref<1x256xf32, #tpu.memory_space<vmem>>, vector<1x256xf32>
    %swap3A_24 = vector.shape_cast %swap3A_23 : vector<1x256xf32> to vector<256xf32>
    %swap3A_25 = vector.shape_cast %add3A : vector<256xf32> to vector<1x256xf32>
    tpu.vector_store %arg5[%swap3A, %swap3A_22], %swap3A_25 {strides = array<i32>} : memref<1x256xf32, #tpu.memory_space<vmem>>, vector<1x256xf32>,
    %eq3A_26 = arith.constant 39 : i32
    %eq3A_27 = arith.cmpi eq, %arg0, %eq3A_26 : i32
    %convert_element_type3A_28 = arith.extui %eq3A_27 : i1 to i32
    %cond3A_29 = arith.constant 0 : i32
    %cond3A_30 = arith.cmpi ne, %convert_element_type3A_28, %cond3A_29 : i32
    scf.if %cond3A_30 {
      %get3A_31 = arith.constant 0 : index
      %get3A_32 = arith.constant 0 : index
      %get3A_33 = vector.load %arg5[%get3A_31, %get3A_32] : memref<1x256xf32, #tpu.memory_space<vmem>>, vector<1x256xf32>
      %get3A_34 = vector.shape_cast %get3A_33 : vector<1x256xf32> to vector<256xf32>
      %get3A_35 = arith.constant 0 : index
      %get3A_36 = arith.constant 0 : index
      %get3A_37 = vector.load %arg3[%get3A_35, %get3A_36] : memref<10x256xf32, #tpu.memory_space<vmem>>, vector<10x256xf32>
      %broadcast_in_dim3A = vector.shape_cast %get3A_34 : vector<256xf32> to vector<1x256xf32>
      %mul3A_38 = vector.broadcast %broadcast_in_dim3A : vector<1x256xf32> to vector<10x256xf32>
      %mul3A_39 = arith.mulf %get3A_37, %mul3A_38 : vector<10x256xf32>
      %reduce_sum3A_40 = arith.constant dense<0.000000e+00> : vector<10xf32>
      %reduce_sum3A_41 = vector.multi_reduction <add>, %mul3A_39, %reduce_sum3A_40 [1] : vector<10x256xf32> to vector<10xf32>
      %swap3A_42 = arith.constant 0 : index
      %swap3A_43 = arith.constant 0 : index
      %swap3A_44 = vector.load %arg4[%swap3A_42, %swap3A_43] : memref<1x10xf32, #tpu.memory_space<vmem>>, vector<1x10xf32>
      %swap3A_45 = vector.shape_cast %swap3A_44 : vector<1x10xf32> to vector<10xf32>
      %swap3A_46 = vector.shape_cast %reduce_sum3A_41 : vector<10xf32> to vector<1x10xf32>
      tpu.vector_store %arg4[%swap3A_42, %swap3A_43], %swap3A_46 {strides = array<i32>} : memref<1x10xf32, #tpu.memory_space<vmem>>, vector<1x10xf32>,
    } else {
    }
    return
  }
  func.func @transform_0(%arg0: i32) -> (i32, i32, i32) {
    %c0_i32 = arith.constant 0 : i32
    %c0_i32_0 = arith.constant 0 : i32
    %c0_i32_1 = arith.constant 0 : i32
    return %arg0, %c0_i32, %c0_i32_0 : i32, i32, i32
  }
  func.func @transform_1(%arg0: i32) -> (i32, i32) {
    %c0_i32 = arith.constant 0 : i32
    %c0_i32_0 = arith.constant 0 : i32
    %c0_i32_1 = arith.constant 0 : i32
    return %c0_i32, %c0_i32_0 : i32, i32
  }
  func.func @transform_2(%arg0: i32) -> (i32, i32) {
    %c0_i32 = arith.constant 0 : i32
    %c0_i32_0 = arith.constant 0 : i32
    %c0_i32_1 = arith.constant 0 : i32
    return %c0_i32, %c0_i32_0 : i32, i32
  }
  func.func @transform_3(%arg0: i32) -> (i32, i32) {
    %c0_i32 = arith.constant 0 : i32
    %c0_i32_0 = arith.constant 0 : i32
    %c0_i32_1 = arith.constant 0 : i32
    return %c0_i32, %c0_i32_0 : i32, i32
  }
}

</mosaic_0001>

<sc_bundles>
// kernel: kernel.5.cloned.1.call-start
scs
__scs_entry_jumppad:
0x0: {  	(pc) =	sbr.rel $0x88, $3  }
0x1: {  	(tag) =	ssettag $0x0;
	lr =	simm.s32 $0x1  }
0x2: {  	[smem:$0x3F9D] =	sst lr;
	_ =	strace $0xD0000000  }
0x3: {  	_ = 	snop  }
0x4: {  	_ = 	snop  }
0x5: {  	_ = 	snop  }
0x6: {  	_ = 	snop  }
0x7: {  	_ = 	snop  }
__scs_overlays_trampoline_lowered:
0x8: {  	[smem:$0x3FAC] =	sst s0  }
0x9: {  	[smem:$0x3FAD] =	sst s1  }
0xa: {  	[smem:$0x3FAE] =	sst s2  }
0xb: {  	[smem:$0x3FAF] =	sst s3  }
0xc: {  	[smem:$0x3FB0] =	sst s4  }
0xd: {  	[smem:$0x3FB1] =	sst s5  }
0xe: {  	[smem:$0x3FB2] =	sst s6  }
0xf: {  	[smem:$0x3FB3] =	sst s7  }
0x10: {  	[smem:$0x3FB4] =	sst s8  }
0x11: {  	[smem:$0x3FB5] =	sst s9;
	s0 =	simm.s32 @!p0 $0x0  }
0x12: {  	s1 =	sld [smem:$0x3F9B];
	s0 =	simm.s32 @p0 $0x1  }
0x13: {  	[smem:$0x3FB6] =	sst s0;
	s0 =	simm.s32 @!p1 $0x0  }
0x14: {  	s2 =	sld [smem:$0x3F9A];
	s0 =	simm.s32 @p1 $0x1  }
0x15: {  	[smem:$0x3FB7] =	sst s0;
	s0 =	simm.s32 @!p2 $0x0  }
0x16: {  	s3 =	sld [smem:$0x3FDB];
	s0 =	simm.s32 @p2 $0x1  }
0x17: {  	s4 =	simm.s32 $0x1BF5;
	[smem:$0x3FB9] =	sst s0  }
0x18: {  	s0 =	sld [smem:$0x3F9C];
	_ =	swait.ge [sflag:s4], $0x0  }
0x19: {  	s7 =	sld [smem:$0x3F9D]  }
0x1a: {  	s8 =	sadd.s32 $0xFFFFE003, lr  }
0x1b: {  	s9 =	sadd.s32 $0xFFFFFEF7, lr;
	s5 =	simm.s32 $0xFFFFFFFF;
	p2 =	slt.u32 s8, $0xFFFFF086  }
0x1c: {  	p1 =	slt.u32 s9, $0xF7A;
	s5 =	simm.s32 @!p2 $0x0  }
0x1d: {  	s5 =	simm.s32 @p1 $0x1;
	p0 =	seq.s32 s7, s2  }
0x1e: {  	s7 =	smul.u32 @!p0 $0xF7A, s2;
	p2 =	seq.s32 @!p0 s5, $0x0  }
0x1f: {  	s9 =	smul.u32 $0xF7A, s1;
	s8 =	simm.s32 @!p0 $0x1BF5;
	p2 =	por !p2, p0  }
0x20: {  	[sflag:s8] =	ssyncset.s32 @!p0 $0xFFFFF086;
	s6 =	sadd.s32 @!p0 s3, s7;
	s7 =	simm.s32 @!p0 $0x108  }
0x21: {  	s3 =	sadd.s32 s3, s9;
	s6 =	sadd.s32 @!p0 $0x88, s6;
	s7 =	simm.s32 @p2 $0x1082  }
0x22: {  	[simem:s7], [sflag:s8] =	dma.local @!p0 [hbm:s6], $0xF7A  }
0x23: {  	s9 =	sor.u32 $0xD0000000, s2;
	s6 =	simm.s32 $0x108;
	_ =	swait.ge @!p0 [sflag:s8], $0x0  }
0x24: {  	s3 =	sadd.s32 $0x88, s3;
	s6 =	simm.s32 @!p1 $0x1082;
	[sflag:s4] =	ssyncset.s32 $0xFFFFF086  }
0x25: {  	[simem:s6], [sflag:s4] =	dma.local [hbm:s3], $0xF7A  }
0x26: {  	[smem:$0x3F9D] =	sst s1;
	(tag) =	ssettag s2;
	_ =	strace s9  }
0x27: {  	s1 =	sld [smem:$0x3FAD]  }
0x28: {  	s2 =	sld [smem:$0x3FAE]  }
0x29: {  	s4 =	sld [smem:$0x3FB0]  }
0x2a: {  	p0 =	seq.s32 s5, $0x0;
	s5 =	sld [smem:$0x3FB1]  }
0x2b: {  	s6 =	sld [smem:$0x3FB2]  }
0x2c: {  	s7 =	sld [smem:$0x3FB3]  }
0x2d: {  	s3 =	simm.s32 $0x108;
	s8 =	sld [smem:$0x3FB4]  }
0x2e: {  	s3 =	simm.s32 @!p0 $0x1082;
	s9 =	sld [smem:$0x3FB5]  }
0x2f: {  	lr =	sadd.s32 s0, s3;
	s0 =	sld [smem:$0x3FAC]  }
0x30: {  	s3 =	sld [smem:$0x3FAF]  }
0x31: {  	[smem:$0x3FB8] =	sst s10  }
0x32: {  	s10 =	sld [smem:$0x3FB6];
	_ =	sdelay $0x3  }
0x33: {  	p0 =	seq.s32 s10, $0x1;
	s10 =	sld [smem:$0x3FB8];
	_ =	sdelay $0x3  }
0x34: {  	[smem:$0x3FB8] =	sst s10  }
0x35: {  	s10 =	sld [smem:$0x3FB7];
	_ =	sdelay $0x3  }
0x36: {  	p1 =	seq.s32 s10, $0x1;
	s10 =	sld [smem:$0x3FB8];
	_ =	sdelay $0x3  }
0x37: {  	[smem:$0x3FB8] =	sst s10  }
0x38: {  	s10 =	sld [smem:$0x3FB9]  }
0x39: {  	_ = 	snop;
	(pc) =	sbr.ind lr, $3  }
0x3a: {  	_ = 	snop  }
0x3b: {  	_ = 	snop  }
0x3c: {  	p2 =	seq.s32 s10, $0x1;
	s10 =	sld [smem:$0x3FB8]  }
0x3d: {  	_ =	shalt  }
0x3e: {  	_ =	shalt  }
0x3f: {  	_ =	shalt  }
0x40: {  	_ =	shalt  }
0x41: {  	_ =	shalt  }
0x42: {  	_ =	shalt  }
0x43: {  	_ =	shalt  }
0x44: {  	_ =	shalt  }
0x45: {  	_ =	shalt  }
0x46: {  	_ =	shalt  }
0x47: {  	_ =	shalt  }
0x48: {  	_ =	shalt  }
0x49: {  	_ =	shalt  }
0x4a: {  	_ =	shalt  }
0x4b: {  	_ =	shalt  }
0x4c: {  	_ =	shalt  }
0x4d: {  	_ =	shalt  }
0x4e: {  	_ =	shalt  }
0x4f: {  	_ =	shalt  }
0x50: {  	_ =	shalt  }
0x51: {  	_ =	shalt  }
0x52: {  	_ =	shalt  }
0x53: {  	_ =	shalt  }
0x54: {  	_ =	shalt  }
0x55: {  	_ =	shalt  }
0x56: {  	_ =	shalt  }
0x57: {  	_ =	shalt  }
0x58: {  	_ =	shalt  }
0x59: {  	_ =	shalt  }
0x5a: {  	_ =	shalt  }
0x5b: {  	_ =	shalt  }
0x5c: {  	_ =	shalt  }
0x5d: {  	_ =	shalt  }
0x5e: {  	_ =	shalt  }
0x5f: {  	_ =	shalt  }
0x60: {  	_ =	shalt  }
0x61: {  	_ =	shalt  }
0x62: {  	_ =	shalt  }
0x63: {  	_ =	shalt  }
0x64: {  	_ =	shalt  }
0x65: {  	_ =	shalt  }
0x66: {  	_ =	shalt  }
0x67: {  	_ =	shalt  }
0x68: {  	_ =	shalt  }
0x69: {  	_ =	shalt  }
0x6a: {  	_ =	shalt  }
0x6b: {  	_ =	shalt  }
0x6c: {  	_ =	shalt  }
0x6d: {  	_ =	shalt  }
0x6e: {  	_ =	shalt  }
0x6f: {  	_ =	shalt  }
0x70: {  	_ =	shalt  }
0x71: {  	_ =	shalt  }
0x72: {  	_ =	shalt  }
0x73: {  	_ =	shalt  }
0x74: {  	_ =	shalt  }
0x75: {  	_ =	shalt  }
0x76: {  	_ =	shalt  }
0x77: {  	_ =	shalt  }
0x78: {  	_ =	shalt  }
0x79: {  	_ =	shalt  }
0x7a: {  	_ =	shalt  }
0x7b: {  	_ =	shalt  }
0x7c: {  	_ =	shalt  }
0x7d: {  	_ =	shalt  }
0x7e: {  	_ =	shalt  }
0x7f: {  	_ =	shalt  }
0x80: {  	_ =	shalt  }
0x81: {  	_ =	shalt  }
0x82: {  	_ =	shalt  }
0x83: {  	_ =	shalt  }
0x84: {  	_ =	shalt  }
0x85: {  	_ =	shalt  }
0x86: {  	_ =	shalt  }
0x87: {  	_ =	shalt  }
.Lfunc_end0:
.L_simem_size_0:
called_computation_lowered:
.L_overlay_start_0:
0x88: {  	s2 =	sld [smem:$0x3FD9]  }
0x89: {  	s3 =	sld [smem:$0x3FFE];
	_ =	sdelay $0x1  }
0x8a: {  	s1 =	srdreg.scid  }
0x8b: {  	s0 =	sand.u32 $0x1, s1  }
0x8c: {  	s16 =	sshll.u32 s0, $0xA;
	s2 =	sadd.s32 s3, s2  }
0x8d: {  	s2 =	sadd.s32 s2, s16  }
0x8e: {  	[smem:$0x3FC4] =	sst s2  }
0x8f: {  	_ = 	snop  }
0x90: {  	(tm) =	ssettm $0x1  }
0x91: {  	s17 =	sld [smem:$0x3FFB];
	_ =	sdelay $0x3  }
0x92: {  	_ =	strace s17  }
0x93: {  	s2 =	sld [smem:$0x3FFC];
	_ =	sdelay $0x3  }
0x94: {  	_ =	strace s2  }
0x95: {  	s2 =	sld [smem:$0x3FFD];
	_ =	sdelay $0x3  }
0x96: {  	_ =	strace s2  }
0x97: {  	_ =	strace $0x8FFFFFFF  }
0x98: {  	s18 =	sld [smem:$0x3FDB];
	_ =	sdelay $0x1  }
0x99: {  	s19 =	simm.s32 $_scs_section_size  }
0x9a: {  	s4 =	simm.s32 $_size__tile_overlayer_lowered;
	s5 =	simm.s32 $_tile_overlayer_lowered  }
0x9b: {  	s22 =	simm.s32 $0x1BFF;
	s21 =	sshll.u32 s5, $0x1;
	s2 =	sadd.s32 s19, s18  }
0x9c: {  	s6 =	simm.s32 $0x0;
	s20 =	sshll.u32 s4, $0x1;
	s4 =	sadd.s32 s21, s2  }
0x9d: {  	[timem:s6], [sflag:s22] =	dma.local [hbm:s4], s20  }
0x9e: {  	_ =	swait.ge [sflag:s22], s20  }
0x9f: {  	s3 =	ssub.s32 $0x0, s20;
	[sflag:s22] =	ssyncset.done $0x0  }
0xa0: {  	[sflag:s22] =	ssyncadd.s32 s3;
	_ =	sdelay $0x1  }
0xa1: {  	s23 =	simm.s32 $0x1B8B  }
0xa2: {  	_ =	swait.ge [sflag:s23], $0x1  }
0xa3: {  	[sflag:s23] =	ssyncset.done $0x0  }
0xa4: {  	s25 =	simm.s32 $0x1B8E;
	s24 =	sld [smem:$0x3FFE];
	[sflag:s23] =	ssyncadd.s32 $0xFFFFFFFF  }
0xa5: {  	s26 =	simm.s32 $execute0_lowered;
	[smem:$0x3FD2] =	sst s25  }
0xa6: {  	s4 =	sshll.u32 s26, $0x1;
	_ =	strace $0x80000046;
	[dreg:$0x1] =	wrdreg $0xFFFFFFFF  }
0xa7: {  	s28 =	simm.s32 $_size_execute0_lowered;
	s2 =	sadd.s32 s2, s4;
	[dreg:$0x0] =	wrdreg $0x0  }
0xa8: {  	s4 =	sshll.u32 s28, $0x1;
	[dreg:$0x2] =	wrdreg s2  }
0xa9: {  	[dreg:$0x3] =	wrdreg s4  }
0xaa: {  	[dreg:$0x4] =	wrdreg $0xC0  }
0xab: {  	_ =	task [dreg:s6], $0x5FFFF  }
0xac: {  	[dreg:$0x1] =	wrdreg $0xFFFFFFFF  }
0xad: {  	[dreg:$0x0] =	wrdreg $0x60  }
0xae: {  	[dreg:$0x2] =	wrdreg s24  }
0xaf: {  	[dreg:$0x3] =	wrdreg $0x9  }
0xb0: {  	_ =	task.clear_ibuf [dreg:s6], $0x4FFFF;
	_ =	strace $0x90000046  }
0xb1: {  	s29 =	simm.s32 $0x9;
	_ =	strace $0x80000048  }
0xb2: {  	_ =	swait.ge [sflag:s29], $0x1  }
0xb3: {  	[sflag:s29] =	ssyncadd.s32 $0xFFFFFFFF  }
0xb4: {  	_ =	strace $0x90000048  }
0xb5: {  	_ =	sfence  }
0xb6: {  	s30 =	sld [smem:$0x0];
	_ =	sdelay $0x2  }
0xb7: {  	s31 =	sshll.u32 s1, $0xD;
	s1 =	sshrl.u32 s1, $0x2  }
0xb8: {  	s3 =	sand.u32 $0x4000, s31;
	s1 =	sadd.s32 s1, s30  }
0xb9: {  	s0 =	sor.u32 s3, s0;
	s1 =	sshll.u32 s1, $0x11  }
0xba: {  	s0 =	sor.u32 s1, s0  }
0xbb: {  	s0 =	sadd.s32 $0x8F2B, s0  }
0xbc: {  	[sflag:s0] =	ssyncadd.remote.s32 $0x1  }
0xbd: {  	_ =	sfence.sel $0xFFFF  }
0xbe: {  	[dreg:$0x0] =	wrdreg $0xFFFFFFFF;
	(pc) =	sbr.abs _section_cstart, $3  }
0xbf: {  	[dreg:$0x1] =	wrdreg $0xFFFFFFFF  }
0xc0: {  	_ =	task.clear_ibuf [dreg:s6], $0x2FFFF;
	_ =	strace $0x9FFFFFFF  }
0xc1: {  	(tm) =	ssettm $0x7FFFFFFF  }
tec
execute0_lowered:
.L_overlay_start_1:
0x0: {  	(tag) =	ssettag $0x1  }
0x1: {  	s0 =	srdreg.scid;
	s1 =	stileid.u32  }
0x2: {  	s4 =	rddreg [dreg:$0x0];
	s2 =	simm.s32 $0x0;
	s8 =	simm.s32 $0x2800  }
0x3: {  	s9 =	simm.s32 $0x2;
	s11 =	simm.s32 $0x80;
	s13 =	simm.s32 $0x6400  }
0x4: {  	s19 =	simm.s32 $0x5D80;
	s20 =	simm.s32 $0x5E00;
	s21 =	simm.s32 $0x5E80  }
0x5: {  	s22 =	simm.s32 $0x5F00;
	s23 =	simm.s32 $0x5F80;
	s24 =	simm.s32 $0x6000  }
0x6: {  	s25 =	simm.s32 $0x6080;
	s26 =	simm.s32 $0x6100;
	s28 =	simm.s32 $0x6180  }
0x7: {  	s29 =	simm.s32 $0x6200;
	s0 =	sand.u32 $0x1, s0;
	s1 =	sshll.u32 s1, $0x1  }
0x8: {  	s30 =	simm.s32 $0x6280;
	s31 =	simm.s32 $0x6300;
	s1 =	sor.u32 s0, s1  }
0x9: {  	s10 =	simm.s32 $0x0;
	s0 =	ssub.s32 $0x2, s0;
	s1 =	smul.u32 $0x272, s1  }
0xa: {  	[smem:$0x7FF] =	sst s2;
	s3 =	sadd.s32 $0xC80600, s4;
	s5 =	sshrl.u32 s0, $0x1  }
0xb: {  	_ =	strace $0x80000047;
	s0 =	ssub.s32 s0, s5;
	s1 =	sadd.s32 s1, s4  }
0xc: {  	s4 =	sadd.s32 $0x600, s4;
	s7 =	smax.u32 s0, $0x1;
	s5 =	sadd.s32 $0xC80C00, s1  }
0xd: {  	v0 =	vimm.f32 $1.000000000e+00;
	v1 =	vimm.s32 $0x63FFFFF;
	s0 =	simm.s32 $0x1;
	s6 =	sadd.s32 $0xC85C00, s1;
	s1 =	simm.s32 $0x6380  }
.LBB2_1:
0xe: {  	[tilespmem:s8], [sflag:$0x2] =	stream.linear.gather [hbm4b:s3+s2], $0x2800, $0x38;
	[tilespmem:$0x6480] =	vst v63  }
0xf: {  	_ =	swait.ge [sflag:s9], $0x2800  }
0x10: {  	[sflag:s9] =	ssyncset.done $0x0  }
0x11: {  	[sflag:s9] =	ssyncadd.s32 $0xFFFFD800  }
0x12: {  	[tilespmem:s2], [sflag:$0x2] =	stream.linear.gather [hbm4b:s5+s2], $0x1390, $0x38;
	[tilespmem:$0x6480] =	vst v63  }
0x13: {  	_ =	swait.ge [sflag:s9], $0x1390  }
0x14: {  	[sflag:s9] =	ssyncset.done $0x0  }
0x15: {  	s12 =	simm.s32 $0x1400;
	[sflag:s9] =	ssyncadd.s32 $0xFFFFEC70  }
0x16: {  	[tilespmem:s12], [sflag:$0x2] =	stream.linear.gather [hbm4b:s6+s2], $0x1390, $0x38;
	[tilespmem:$0x6480] =	vst v63  }
0x17: {  	_ =	swait.ge [sflag:s9], $0x1390  }
0x18: {  	[sflag:s9] =	ssyncset.done $0x0  }
0x19: {  	[sflag:s9] =	ssyncadd.s32 $0xFFFFEC70  }
0x1a: {  	[tilespmem:$0x6400] =	vst v0  }
0x1b: {  	[tilespmem:$0x6380] =	vst v1  }
0x1c: {  	[tilespmem:$0x6410] =	vst v0  }
0x1d: {  	[tilespmem:$0x6390] =	vst v1  }
0x1e: {  	[tilespmem:$0x6420] =	vst v0  }
0x1f: {  	[tilespmem:$0x63A0] =	vst v1  }
0x20: {  	[tilespmem:$0x6430] =	vst v0  }
0x21: {  	[tilespmem:$0x63B0] =	vst v1  }
0x22: {  	[tilespmem:$0x6440] =	vst v0  }
0x23: {  	[tilespmem:$0x63C0] =	vst v1  }
0x24: {  	[tilespmem:$0x6450] =	vst v0  }
0x25: {  	[tilespmem:$0x63D0] =	vst v1  }
0x26: {  	[tilespmem:$0x6460] =	vst v0  }
0x27: {  	[tilespmem:$0x63E0] =	vst v1  }
0x28: {  	[tilespmem:$0x6470] =	vst v0  }
0x29: {  	s14 =	simm.s32 $0x0;
	s15 =	simm.s32 $0x0;
	s12 =	simm.s32 $0xFFFFFFFC;
	[tilespmem:$0x63F0] =	vst v1  }
.LBB2_2:
0x2a: {  	s16 =	sshra.s32 s15, $0x2  }
0x2b: {  	v2 =	vld [tilespmem:s16+$0x0]  }
0x2c: {  	v3 =	vld [tilespmem:s16+$0x1400];
	_ =	sdelay $0x6  }
0x2d: {  	v2 =	vld.idx.msk [tilespmem:v2+s8+$0x0], $0xffff  }
0x2e: {  	v3 =	vld.idx.msk [tilespmem:v3+s8+$0x0], $0xffff;
	_ =	sdelay $0x4  }
0x2f: {  	vm0 =	vgt.s32 v2, v3  }
0x30: {  	s17 =	sand.u32 $0x7E00, s15;
	v4 =	vsel vm0, v3, v2  }
0x31: {  	s17 =	sshrl.u32 s17, $0x2;
	v4 =	vmul.u32 $0x2800, v4  }
0x32: {  	s18 =	sand.u32 $0x40, s14;
	s17 =	sadd.s32 $0x5000, s17;
	v2 =	vsel vm0, v2, v3  }
0x33: {  	s18 =	sor.u32 s18, s17;
	v2 =	vadd.s32 v2, v4  }
0x34: {  	[tilespmem:s18+$0x0] =	vst v2  }
0x35: {  	v2 =	vld [tilespmem:s16+$0x10]  }
0x36: {  	v3 =	vld [tilespmem:s16+$0x1410];
	_ =	sdelay $0x6  }
0x37: {  	v2 =	vld.idx.msk [tilespmem:v2+s8+$0x0], $0xffff  }
0x38: {  	v3 =	vld.idx.msk [tilespmem:v3+s8+$0x0], $0xffff;
	_ =	sdelay $0x4  }
0x39: {  	vm13 =	vgt.s32 v2, v3  }
0x3a: {  	v61 =	vsel vm13, v3, v2  }
0x3b: {  	s18 =	sadd.s32 $0x10, s14;
	v4 =	vmul.u32 $0x2800, v61  }
0x3c: {  	s18 =	sand.u32 $0x50, s18;
	v2 =	vsel vm13, v2, v3  }
0x3d: {  	s18 =	sor.u32 s18, s17;
	v2 =	vadd.s32 v2, v4  }
0x3e: {  	[tilespmem:s18+$0x0] =	vst v2  }
0x3f: {  	v2 =	vld [tilespmem:s16+$0x20]  }
0x40: {  	v3 =	vld [tilespmem:s16+$0x1420];
	_ =	sdelay $0x6  }
0x41: {  	v2 =	vld.idx.msk [tilespmem:v2+s8+$0x0], $0xffff  }
0x42: {  	v3 =	vld.idx.msk [tilespmem:v3+s8+$0x0], $0xffff;
	_ =	sdelay $0x4  }
0x43: {  	vm14 =	vgt.s32 v2, v3  }
0x44: {  	v62 =	vsel vm14, v3, v2  }
0x45: {  	s18 =	sadd.s32 $0x20, s14;
	v4 =	vmul.u32 $0x2800, v62  }
0x46: {  	s18 =	sand.u32 $0x60, s18;
	v2 =	vsel vm14, v2, v3  }
0x47: {  	s18 =	sor.u32 s18, s17;
	v2 =	vadd.s32 v2, v4  }
0x48: {  	[tilespmem:s18+$0x0] =	vst v2  }
0x49: {  	v2 =	vld [tilespmem:s16+$0x30]  }
0x4a: {  	v3 =	vld [tilespmem:s16+$0x1430];
	_ =	sdelay $0x6  }
0x4b: {  	v2 =	vld.idx.msk [tilespmem:v2+s8+$0x0], $0xffff  }
0x4c: {  	v3 =	vld.idx.msk [tilespmem:v3+s8+$0x0], $0xffff;
	_ =	sdelay $0x3  }
0x4d: {  	s12 =	sadd.s32 $0x4, s12  }
0x4e: {  	p0 =	slt.u32 s12, $0x134;
	vm15 =	vgt.s32 v2, v3  }
.Ltmp0:
0x4f: {  	v63 =	vsel vm15, v3, v2;
	(pc) =	sbr.rel @p0 .LBB2_2-.Ltmp0, $4  }
0x50: {  	s18 =	sadd.s32 $0x30, s14;
	v4 =	vmul.u32 $0x2800, v63  }
0x51: {  	s16 =	sand.u32 $0x70, s18;
	v2 =	vsel vm15, v2, v3  }
0x52: {  	s16 =	sor.u32 s16, s17;
	v2 =	vadd.s32 v2, v4  }
0x53: {  	s15 =	sadd.s32 $0x100, s15;
	s14 =	sadd.s32 $0x40, s14;
	[tilespmem:s16+$0x0] =	vst v2  }
0x54: {  	v2 =	vld [tilespmem:$0x1380]  }
0x55: {  	v3 =	vld [tilespmem:$0x2780];
	_ =	sdelay $0x6  }
0x56: {  	v2 =	vld.idx.msk [tilespmem:v2+s8+$0x0], $0xffff  }
0x57: {  	v3 =	vld.idx.msk [tilespmem:v3+s8+$0x0], $0xffff;
	_ =	sdelay $0x4  }
0x58: {  	vm0 =	vgt.s32 v2, v3  }
0x59: {  	v4 =	vsel vm0, v3, v2  }
0x5a: {  	v4 =	vmul.u32 $0x2800, v4  }
0x5b: {  	v2 =	vsel vm0, v2, v3  }
0x5c: {  	v2 =	vadd.s32 v2, v4  }
0x5d: {  	s12 =	simm.s32 $0x5000;
	[tilespmem:$0x6380] =	vst v2  }
0x5e: {  	[hbm4b:s4+s11] =	stream.indirect.scatter [tilespmem:s13], [sflag:$0x1], $0x1, s12, s11, $0xb8;
	[tilespmem:$0x6480] =	vst v63  }
0x5f: {  	s18 =	simm.s32 $0x5080  }
0x60: {  	[hbm4b:s4+s11] =	stream.indirect.scatter [tilespmem:s13], [sflag:$0x1], $0x1, s18, s11, $0xb8;
	[tilespmem:$0x6480] =	vst v63  }
0x61: {  	s14 =	simm.s32 $0x5100  }
0x62: {  	[hbm4b:s4+s11] =	stream.indirect.scatter [tilespmem:s13], [sflag:$0x1], $0x1, s14, s11, $0xb8;
	[tilespmem:$0x6480] =	vst v63  }
0x63: {  	s15 =	simm.s32 $0x5180  }
0x64: {  	[hbm4b:s4+s11] =	stream.indirect.scatter [tilespmem:s13], [sflag:$0x1], $0x1, s15, s11, $0xb8;
	[tilespmem:$0x6480] =	vst v63  }
0x65: {  	s16 =	simm.s32 $0x5200  }
0x66: {  	[hbm4b:s4+s11] =	stream.indirect.scatter [tilespmem:s13], [sflag:$0x1], $0x1, s16, s11, $0xb8;
	[tilespmem:$0x6480] =	vst v63  }
0x67: {  	s17 =	simm.s32 $0x5280  }
0x68: {  	[hbm4b:s4+s11] =	stream.indirect.scatter [tilespmem:s13], [sflag:$0x1], $0x1, s17, s11, $0xb8;
	[tilespmem:$0x6480] =	vst v63  }
0x69: {  	s18 =	simm.s32 $0x5300  }
0x6a: {  	[hbm4b:s4+s11] =	stream.indirect.scatter [tilespmem:s13], [sflag:$0x1], $0x1, s18, s11, $0xb8;
	[tilespmem:$0x6480] =	vst v63  }
0x6b: {  	s14 =	simm.s32 $0x5380  }
0x6c: {  	[hbm4b:s4+s11] =	stream.indirect.scatter [tilespmem:s13], [sflag:$0x1], $0x1, s14, s11, $0xb8;
	[tilespmem:$0x6480] =	vst v63  }
0x6d: {  	s15 =	simm.s32 $0x5400  }
0x6e: {  	[hbm4b:s4+s11] =	stream.indirect.scatter [tilespmem:s13], [sflag:$0x1], $0x1, s15, s11, $0xb8;
	[tilespmem:$0x6480] =	vst v63  }
0x6f: {  	s16 =	simm.s32 $0x5480  }
0x70: {  	[hbm4b:s4+s11] =	stream.indirect.scatter [tilespmem:s13], [sflag:$0x1], $0x1, s16, s11, $0xb8;
	[tilespmem:$0x6480] =	vst v63  }
0x71: {  	s17 =	simm.s32 $0x5500  }
0x72: {  	[hbm4b:s4+s11] =	stream.indirect.scatter [tilespmem:s13], [sflag:$0x1], $0x1, s17, s11, $0xb8;
	[tilespmem:$0x6480] =	vst v63  }
0x73: {  	s18 =	simm.s32 $0x5580  }
0x74: {  	[hbm4b:s4+s11] =	stream.indirect.scatter [tilespmem:s13], [sflag:$0x1], $0x1, s18, s11, $0xb8;
	[tilespmem:$0x6480] =	vst v63  }
0x75: {  	s14 =	simm.s32 $0x5600  }
0x76: {  	[hbm4b:s4+s11] =	stream.indirect.scatter [tilespmem:s13], [sflag:$0x1], $0x1, s14, s11, $0xb8;
	[tilespmem:$0x6480] =	vst v63  }
0x77: {  	s15 =	simm.s32 $0x5680  }
0x78: {  	[hbm4b:s4+s11] =	stream.indirect.scatter [tilespmem:s13], [sflag:$0x1], $0x1, s15, s11, $0xb8;
	[tilespmem:$0x6480] =	vst v63  }
0x79: {  	s16 =	simm.s32 $0x5700  }
0x7a: {  	[hbm4b:s4+s11] =	stream.indirect.scatter [tilespmem:s13], [sflag:$0x1], $0x1, s16, s11, $0xb8;
	[tilespmem:$0x6480] =	vst v63  }
0x7b: {  	s17 =	simm.s32 $0x5780  }
0x7c: {  	[hbm4b:s4+s11] =	stream.indirect.scatter [tilespmem:s13], [sflag:$0x1], $0x1, s17, s11, $0xb8;
	[tilespmem:$0x6480] =	vst v63  }
0x7d: {  	s18 =	simm.s32 $0x5800  }
0x7e: {  	[hbm4b:s4+s11] =	stream.indirect.scatter [tilespmem:s13], [sflag:$0x1], $0x1, s18, s11, $0xb8;
	[tilespmem:$0x6480] =	vst v63  }
0x7f: {  	s14 =	simm.s32 $0x5880  }
0x80: {  	[hbm4b:s4+s11] =	stream.indirect.scatter [tilespmem:s13], [sflag:$0x1], $0x1, s14, s11, $0xb8;
	[tilespmem:$0x6480] =	vst v63  }
0x81: {  	s15 =	simm.s32 $0x5900  }
0x82: {  	[hbm4b:s4+s11] =	stream.indirect.scatter [tilespmem:s13], [sflag:$0x1], $0x1, s15, s11, $0xb8;
	[tilespmem:$0x6480] =	vst v63  }
0x83: {  	s16 =	simm.s32 $0x5980  }
0x84: {  	[hbm4b:s4+s11] =	stream.indirect.scatter [tilespmem:s13], [sflag:$0x1], $0x1, s16, s11, $0xb8;
	[tilespmem:$0x6480] =	vst v63  }
0x85: {  	s17 =	simm.s32 $0x5A00  }
0x86: {  	[hbm4b:s4+s11] =	stream.indirect.scatter [tilespmem:s13], [sflag:$0x1], $0x1, s17, s11, $0xb8;
	[tilespmem:$0x6480] =	vst v63  }
0x87: {  	s18 =	simm.s32 $0x5A80  }
0x88: {  	[hbm4b:s4+s11] =	stream.indirect.scatter [tilespmem:s13], [sflag:$0x1], $0x1, s18, s11, $0xb8;
	[tilespmem:$0x6480] =	vst v63  }
0x89: {  	s14 =	simm.s32 $0x5B00  }
0x8a: {  	[hbm4b:s4+s11] =	stream.indirect.scatter [tilespmem:s13], [sflag:$0x1], $0x1, s14, s11, $0xb8;
	[tilespmem:$0x6480] =	vst v63  }
0x8b: {  	s15 =	simm.s32 $0x5B80  }
0x8c: {  	[hbm4b:s4+s11] =	stream.indirect.scatter [tilespmem:s13], [sflag:$0x1], $0x1, s15, s11, $0xb8;
	[tilespmem:$0x6480] =	vst v63  }
0x8d: {  	s16 =	simm.s32 $0x5C00  }
0x8e: {  	[hbm4b:s4+s11] =	stream.indirect.scatter [tilespmem:s13], [sflag:$0x1], $0x1, s16, s11, $0xb8;
	[tilespmem:$0x6480] =	vst v63  }
0x8f: {  	s17 =	simm.s32 $0x5C80  }
0x90: {  	[hbm4b:s4+s11] =	stream.indirect.scatter [tilespmem:s13], [sflag:$0x1], $0x1, s17, s11, $0xb8;
	[tilespmem:$0x6480] =	vst v63  }
0x91: {  	s18 =	simm.s32 $0x5D00  }
0x92: {  	[hbm4b:s4+s11] =	stream.indirect.scatter [tilespmem:s13], [sflag:$0x1], $0x1, s18, s11, $0xb8;
	[tilespmem:$0x6480] =	vst v63  }
0x93: {  	_ = 	snop  }
0x94: {  	[hbm4b:s4+s11] =	stream.indirect.scatter [tilespmem:s13], [sflag:$0x1], $0x1, s19, s11, $0xb8;
	[tilespmem:$0x6480] =	vst v63  }
0x95: {  	_ = 	snop  }
0x96: {  	[hbm4b:s4+s11] =	stream.indirect.scatter [tilespmem:s13], [sflag:$0x1], $0x1, s20, s11, $0xb8;
	[tilespmem:$0x6480] =	vst v63  }
0x97: {  	_ = 	snop  }
0x98: {  	[hbm4b:s4+s11] =	stream.indirect.scatter [tilespmem:s13], [sflag:$0x1], $0x1, s21, s11, $0xb8;
	[tilespmem:$0x6480] =	vst v63  }
0x99: {  	_ = 	snop  }
0x9a: {  	[hbm4b:s4+s11] =	stream.indirect.scatter [tilespmem:s13], [sflag:$0x1], $0x1, s22, s11, $0xb8;
	[tilespmem:$0x6480] =	vst v63  }
0x9b: {  	_ = 	snop  }
0x9c: {  	[hbm4b:s4+s11] =	stream.indirect.scatter [tilespmem:s13], [sflag:$0x1], $0x1, s23, s11, $0xb8;
	[tilespmem:$0x6480] =	vst v63  }
0x9d: {  	_ = 	snop  }
0x9e: {  	[hbm4b:s4+s11] =	stream.indirect.scatter [tilespmem:s13], [sflag:$0x1], $0x1, s24, s11, $0xb8;
	[tilespmem:$0x6480] =	vst v63  }
0x9f: {  	_ = 	snop  }
0xa0: {  	[hbm4b:s4+s11] =	stream.indirect.scatter [tilespmem:s13], [sflag:$0x1], $0x1, s25, s11, $0xb8;
	[tilespmem:$0x6480] =	vst v63  }
0xa1: {  	_ = 	snop  }
0xa2: {  	[hbm4b:s4+s11] =	stream.indirect.scatter [tilespmem:s13], [sflag:$0x1], $0x1, s26, s11, $0xb8;
	[tilespmem:$0x6480] =	vst v63  }
0xa3: {  	_ = 	snop  }
0xa4: {  	[hbm4b:s4+s11] =	stream.indirect.scatter [tilespmem:s13], [sflag:$0x1], $0x1, s28, s11, $0xb8;
	[tilespmem:$0x6480] =	vst v63  }
0xa5: {  	_ = 	snop  }
0xa6: {  	[hbm4b:s4+s11] =	stream.indirect.scatter [tilespmem:s13], [sflag:$0x1], $0x1, s29, s11, $0xb8;
	[tilespmem:$0x6480] =	vst v63  }
0xa7: {  	_ = 	snop  }
0xa8: {  	[hbm4b:s4+s11] =	stream.indirect.scatter [tilespmem:s13], [sflag:$0x1], $0x1, s30, s11, $0xb8;
	[tilespmem:$0x6480] =	vst v63  }
0xa9: {  	_ = 	snop  }
0xaa: {  	[hbm4b:s4+s11] =	stream.indirect.scatter [tilespmem:s13], [sflag:$0x1], $0x1, s31, s11, $0xb8;
	[tilespmem:$0x6480] =	vst v63  }
0xab: {  	_ = 	snop  }
0xac: {  	[hbm4b:s4+s11] =	stream.indirect.scatter [tilespmem:s13], [sflag:$0x1], $0x1, s1, s11, $0xb8;
	[tilespmem:$0x6480] =	vst v63  }
0xad: {  	_ =	swait.ge [sflag:s0], $0x80  }
0xae: {  	s12 =	simm.s32 $0x27;
	[sflag:s0] =	ssyncset.done $0x0  }
.LBB2_4:
0xaf: {  	p0 =	sne.s32 s12, $0x1;
	s12 =	sadd.s32 $0xFFFFFFFF, s12;
	[sflag:s0] =	ssyncadd.s32 $0xFFFFFF80  }
.Ltmp1:
0xb0: {  	(pc) =	sbr.rel @p0 .LBB2_4-.Ltmp1, $3  }
0xb1: {  	_ =	sdelay $0x1  }
0xb2: {  	_ =	swait.ge [sflag:s0], $0x80  }
0xb3: {  	[sflag:s0] =	ssyncset.done $0x0  }
0xb4: {  	s10 =	sadd.s32 $0x1, s10  }
0xb5: {  	p0 =	sne.s32 s10, s7  }
.Ltmp2:
0xb6: {  	_ = 	snop;
	(pc) =	sbr.rel @p0 .LBB2_1-.Ltmp2, $2  }
0xb7: {  	_ =	sdelay $0x2  }
0xb8: {  	[sflag:s0] =	ssyncadd.s32 $0xFFFFFF80  }
0xb9: {  	_ =	sfence.sel $0x180000  }
0xba: {  	[bflag:$0x0] =	sbarrier.arrive $0xFFFF  }
0xbb: {  	_ =	strace $0x90000047  }
0xbc: {  	s0 =	stileid.u32;
	[bflag:$0x2] =	sbarrier.arrive $0xFFFF  }
0xbd: {  	p0 =	sne.s32 s0, $0x0;
	s0 =	rddreg [dreg:$0x1]  }
0xbe: {  	s0 =	sadd.s32 @!p0 $0x100000, s0  }
0xbf: {  	[sflag:s0] =	ssyncadd.tile.s32 @!p0 $0x1;
	_ =	shalt  }
.Lfunc_end2:
_tile_overlayer_lowered:
.L_overlay_start_2:
0xc0: {  	(tag) =	ssettag $0x2  }
0xc1: {  	s0 =	rddreg [dreg:$0x0];
	s2 =	stileid.u32  }
0xc2: {  	s1 =	rddreg [dreg:$0x1];
	p0 =	sne.s32 s2, $0x0  }
0xc3: {  	s3 =	rddreg [dreg:$0x2];
	[bflag:$0x3] =	sbarrier.arrive $0xFFFF;
	s2 =	simm.s32 @!p0 $0x1C02  }
0xc4: {  	[timem:s3], [sflag:s2] =	dma.local @!p0 [hbm:s0], s1  }
0xc5: {  	s0 =	simm.s32 @!p0 $0x2  }
0xc6: {  	_ =	swait.ge @!p0 [sflag:s0], s1  }
0xc7: {  	s1 =	ssub.s32 @!p0 $0x0, s1;
	[sflag:s0] =	ssyncset.done @!p0 $0x0  }
0xc8: {  	[sflag:s0] =	ssyncadd.s32 @!p0 s1  }
0xc9: {  	[bflag:$0x3] =	sbarrier.arrive $0xFFFF  }
0xca: {  	_ =	shalt  }

</sc_bundles>
